<compile_context>
chip_gen: v7x
topology: tpu7x:2x2x1
jax: 0.10.2.dev20260603
libtpu: 0.0.44.dev20260713+nightly
codegen_flags: <defaults>
</compile_context>

<pallas_src>
import functools

import jax
import jax.numpy as jnp
from jax import lax
from jax.experimental import pallas as pl
from jax.experimental.pallas import tpu as pltpu
from jax.experimental.pallas import tpu_sc as plsc

N = 10000
E = 320000
D = 128

NUM_SC = 2
NUM_TILES = 16
NW = NUM_SC * NUM_TILES
EPW = E // NW
CHUNK = 64
NCHUNK = EPW // CHUNK
TAIL = EPW - NCHUNK * CHUNK
ROWS_PT = 624
ROWS_REM = N - NUM_TILES * ROWS_PT
ZROWS = 48


def _mish(h):
    return h * jnp.tanh(jax.nn.softplus(h))


def _dense_mish_body(a_ref, w_ref, b_ref, o_ref):
    h = lax.dot_general(a_ref[...], w_ref[...], (((1,), (1,)), ((), ())),
                        preferred_element_type=jnp.float32)
    h = h + b_ref[...]
    o_ref[...] = _mish(h)


def _dense_mish(a, w, b, block_rows):
    rows = a.shape[0]
    grid = rows // block_rows
    return pl.pallas_call(
        _dense_mish_body,
        grid=(grid,),
        in_specs=[
            pl.BlockSpec((block_rows, D), lambda i: (i, 0)),
            pl.BlockSpec((D, D), lambda i: (0, 0)),
            pl.BlockSpec((1, D), lambda i: (0, 0)),
        ],
        out_specs=pl.BlockSpec((block_rows, D), lambda i: (i, 0)),
        out_shape=jax.ShapeDtypeStruct((rows, D), jnp.float32),
    )(a, w, b.reshape(1, D))


def _final_body(x_ref, a0_ref, a1_ref, w_ref, b_ref, o_ref):
    s = x_ref[...] + a0_ref[...] + a1_ref[...]
    h = lax.dot_general(s, w_ref[...], (((1,), (1,)), ((), ())),
                        preferred_element_type=jnp.float32)
    h = h + b_ref[...]
    o_ref[...] = _mish(h)


def _final_dense(x, a0, a1, w, b, block_rows):
    grid = N // block_rows
    return pl.pallas_call(
        _final_body,
        grid=(grid,),
        in_specs=[
            pl.BlockSpec((block_rows, D), lambda i: (i, 0)),
            pl.BlockSpec((block_rows, D), lambda i: (i, 0)),
            pl.BlockSpec((block_rows, D), lambda i: (i, 0)),
            pl.BlockSpec((D, D), lambda i: (0, 0)),
            pl.BlockSpec((1, D), lambda i: (0, 0)),
        ],
        out_specs=pl.BlockSpec((block_rows, D), lambda i: (i, 0)),
        out_shape=jax.ShapeDtypeStruct((N, D), jnp.float32),
    )(x, a0, a1, w, b.reshape(1, D))


def _sc_agg_body(x_hbm, y_hbm, src_hbm, dst_hbm, out_hbm,
                 src0, src1, dst0, dst1, xr0, xr1, yr0, yr1,
                 srcT, dstT, xrT, yrT,
                 semA0, semA1, semB0, semB1, semC0, semC1, agg_sh):
    c = lax.axis_index("c")
    s = lax.axis_index("s")
    wid = c * NUM_TILES + s
    src_b = (src0, src1)
    dst_b = (dst0, dst1)
    xr_b = (xr0, xr1)
    yr_b = (yr0, yr1)
    semA = (semA0, semA1)
    semB = (semB0, semB1)
    semC = (semC0, semC1)

    def zbody(r, _):
        for cc in range(8):
            xr0[r, pl.ds(cc * 16, 16)] = jnp.zeros((16,), jnp.float32)
        return 0
    lax.fori_loop(0, ZROWS, zbody, 0)
    rbase = pl.multiple_of(s * ROWS_PT, 16)
    for j in range(ROWS_PT // ZROWS):
        pltpu.sync_copy(xr0.at[pl.ds(0, ZROWS)],
                        agg_sh.at[pl.ds(rbase + j * ZROWS, ZROWS)])

    @pl.when(s == NUM_TILES - 1)
    def _():
        pltpu.sync_copy(xr0.at[pl.ds(0, ROWS_REM)],
                        agg_sh.at[pl.ds(N - ROWS_REM, ROWS_REM)])
    plsc.subcore_barrier()

    ebase = wid * EPW

    def start_idx(k, p):
        st = pl.multiple_of(ebase + k * CHUNK, 16)
        pltpu.async_copy(src_hbm.at[pl.ds(st, CHUNK)], src_b[p], semA[p])
        pltpu.async_copy(dst_hbm.at[pl.ds(st, CHUNK)], dst_b[p], semA[p])

    def wait_idx(p):
        pltpu.make_async_copy(src_hbm.at[pl.ds(0, CHUNK)], src_b[p],
                              semA[p]).wait()
        pltpu.make_async_copy(dst_hbm.at[pl.ds(0, CHUNK)], dst_b[p],
                              semA[p]).wait()

    def start_data(k, p):
        st = pl.multiple_of(ebase + k * CHUNK, 16)
        pltpu.async_copy(x_hbm.at[src_b[p]], xr_b[p], semB[p])
        pltpu.async_copy(y_hbm.at[pl.ds(st, CHUNK)], yr_b[p], semB[p])

    def wait_data(p):
        pltpu.make_async_copy(y_hbm.at[pl.ds(0, CHUNK)], xr_b[p],
                              semB[p]).wait()
        pltpu.make_async_copy(y_hbm.at[pl.ds(0, CHUNK)], yr_b[p],
                              semB[p]).wait()

    def wait_scatter(p):
        pltpu.make_async_copy(y_hbm.at[pl.ds(0, CHUNK)], yr_b[p],
                              semC[p]).wait()

    start_idx(0, 0)
    start_idx(1, 1)
    wait_idx(0)
    start_data(0, 0)

    def pair_body(i2, _):
        for p in (0, 1):
            k = i2 * 2 + p

            @pl.when(k + 1 < NCHUNK)
            def _():
                wait_idx(p ^ 1)

                @pl.when(k >= 1)
                def _():
                    wait_scatter(p ^ 1)
                start_data(k + 1, p ^ 1)

            wait_data(p)

            def cbody(r, _):
                for cc in range(8):
                    v = (xr_b[p][r, pl.ds(cc * 16, 16)] +
                         yr_b[p][r, pl.ds(cc * 16, 16)])
                    yr_b[p][r, pl.ds(cc * 16, 16)] = jnp.maximum(v, 0.0)
                return 0
            lax.fori_loop(0, CHUNK, cbody, 0)

            pltpu.async_copy(yr_b[p], agg_sh.at[dst_b[p]], semC[p], add=True)

            @pl.when(k + 2 < NCHUNK)
            def _():
                start_idx(k + 2, p)
        return 0

    lax.fori_loop(0, NCHUNK // 2, pair_body, 0)
    wait_scatter(0)
    wait_scatter(1)

    tst = pl.multiple_of(ebase + NCHUNK * CHUNK, 16)
    pltpu.sync_copy(src_hbm.at[pl.ds(tst, TAIL)], srcT)
    pltpu.sync_copy(dst_hbm.at[pl.ds(tst, TAIL)], dstT)
    pltpu.async_copy(x_hbm.at[srcT], xrT, semB0).wait()
    pltpu.sync_copy(y_hbm.at[pl.ds(tst, TAIL)], yrT)

    def tbody(r, _):
        for cc in range(8):
            v = xrT[r, pl.ds(cc * 16, 16)] + yrT[r, pl.ds(cc * 16, 16)]
            yrT[r, pl.ds(cc * 16, 16)] = jnp.maximum(v, 0.0)
        return 0
    lax.fori_loop(0, TAIL, tbody, 0)
    pltpu.sync_copy(yrT, agg_sh.at[dstT], add=True)

    plsc.subcore_barrier()

    pltpu.sync_copy(agg_sh.at[pl.ds(rbase, ROWS_PT)],
                    out_hbm.at[c, pl.ds(rbase, ROWS_PT)])

    @pl.when(s == NUM_TILES - 1)
    def _():
        pltpu.sync_copy(agg_sh.at[pl.ds(N - ROWS_REM, ROWS_REM)],
                        out_hbm.at[c, pl.ds(N - ROWS_REM, ROWS_REM)])


_sc_agg = functools.partial(
    pl.kernel,
    out_type=jax.ShapeDtypeStruct((NUM_SC, N, D), jnp.float32),
    mesh=plsc.VectorSubcoreMesh(core_axis_name="c", subcore_axis_name="s"),
    scratch_types=[
        pltpu.VMEM((CHUNK,), jnp.int32),
        pltpu.VMEM((CHUNK,), jnp.int32),
        pltpu.VMEM((CHUNK,), jnp.int32),
        pltpu.VMEM((CHUNK,), jnp.int32),
        pltpu.VMEM((CHUNK, D), jnp.float32),
        pltpu.VMEM((CHUNK, D), jnp.float32),
        pltpu.VMEM((CHUNK, D), jnp.float32),
        pltpu.VMEM((CHUNK, D), jnp.float32),
        pltpu.VMEM((TAIL,), jnp.int32),
        pltpu.VMEM((TAIL,), jnp.int32),
        pltpu.VMEM((TAIL, D), jnp.float32),
        pltpu.VMEM((TAIL, D), jnp.float32),
        pltpu.SemaphoreType.DMA,
        pltpu.SemaphoreType.DMA,
        pltpu.SemaphoreType.DMA,
        pltpu.SemaphoreType.DMA,
        pltpu.SemaphoreType.DMA,
        pltpu.SemaphoreType.DMA,
        pltpu.VMEM_SHARED((N, D), jnp.float32),
    ],
)(_sc_agg_body)


def kernel(node_features, edge_features, targets, edge_index,
           W_dense, b_dense, W_edge, b_edge, W_out, b_out):
    x = _dense_mish(node_features, W_dense, b_dense, 1000)
    y = _dense_mish(edge_features, W_edge, b_edge, 4000)
    src = edge_index[0]
    dst = edge_index[1]
    agg = _sc_agg(x, y, src, dst)
    return _final_dense(x, agg[0], agg[1], W_out, b_out, 1000)

# --- scband reference (transcript-rebuilt; emitter-appended) ---
"""Pipeline reference for scband-cr-aknlayer-30554397343953 (READ-ONLY COPY).

The authoritative reference and input builder live on the scoring server;
editing this copy changes nothing except your own understanding.
"""

import jax, jax.numpy as jnp
import numpy as np

N, E, D = 10000, 320000, 128


def mish(x):
    return x * jnp.tanh(jax.nn.softplus(x))


def setup_inputs(seed: int = 0) -> dict:
    key = jax.random.key(seed)
    ks = jax.random.split(key, 8)
    return {
        "node_features": jax.random.normal(ks[0], (N, D), dtype=jnp.float32),
        "edge_features": jax.random.normal(ks[1], (E, D), dtype=jnp.float32),
        "targets": jax.random.normal(ks[2], (N, 1), dtype=jnp.float32),
        "edge_index": jax.random.randint(ks[3], (2, E), 0, N, dtype=jnp.int32),
        "W_dense": jax.random.normal(ks[4], (D, D), dtype=jnp.float32) * 0.05,
        "b_dense": jnp.zeros((D,), jnp.float32),
        "W_edge": jax.random.normal(ks[5], (D, D), dtype=jnp.float32) * 0.05,
        "b_edge": jnp.zeros((D,), jnp.float32),
        "W_out": jax.random.normal(ks[6], (D, D), dtype=jnp.float32) * 0.05,
        "b_out": jnp.zeros((D,), jnp.float32),
    }


def reference(node_features, edge_features, targets, edge_index,
              W_dense, b_dense, W_edge, b_edge, W_out, b_out):
    # dense + Mish on node features
    x = mish(node_features @ W_dense.T + b_dense)
    # dense + Mish on edge features
    y = mish(edge_features @ W_edge.T + b_edge)
    # GINEConv (apply_func identity, eps=0):
    #   out_i = (1 + eps) * x_i + sum_{j in N(i)} ReLU(x_j + e_{ji})
    src = edge_index[0]
    dst = edge_index[1]
    msg = jax.nn.relu(x[src] + y)
    agg = jax.ops.segment_sum(msg, dst, num_segments=node_features.shape[0])
    out = x + agg
    # output projection + Mish
    return mish(out @ W_out.T + b_out)

if __name__ == "__main__":
    import jax
    _d = setup_inputs()
    print(jax.jit(kernel)(*tuple(_d.values())))

</pallas_src>

<mosaic_0001>
#map = affine_map<(d0, d1) -> (0, 0)>
#map1 = affine_map<(d0, d1) -> (0)>
#map2 = affine_map<(d0, d1) -> (0, 0, 0)>
module attributes {stable_mosaic.version = 14 : i64} {
  func.func @_sc_agg_body(%arg0: i32, %arg1: i32, %arg2: memref<10000x128xf32, #tpu.memory_space<hbm>>, %arg3: memref<320000x128xf32, #tpu.memory_space<hbm>>, %arg4: memref<320000xi32, #tpu.memory_space<hbm>>, %arg5: memref<320000xi32, #tpu.memory_space<hbm>>, %arg6: memref<2x10000x128xf32, #tpu.memory_space<hbm>>, %arg7: memref<64xi32, #tpu.memory_space<vmem>>, %arg8: memref<64xi32, #tpu.memory_space<vmem>>, %arg9: memref<64xi32, #tpu.memory_space<vmem>>, %arg10: memref<64xi32, #tpu.memory_space<vmem>>, %arg11: memref<64x128xf32, #tpu.memory_space<vmem>>, %arg12: memref<64x128xf32, #tpu.memory_space<vmem>>, %arg13: memref<64x128xf32, #tpu.memory_space<vmem>>, %arg14: memref<64x128xf32, #tpu.memory_space<vmem>>, %arg15: memref<16xi32, #tpu.memory_space<vmem>>, %arg16: memref<16xi32, #tpu.memory_space<vmem>>, %arg17: memref<16x128xf32, #tpu.memory_space<vmem>>, %arg18: memref<16x128xf32, #tpu.memory_space<vmem>>, %arg19: memref<!tpu.dma_semaphore, #tpu.memory_space<semaphore_mem>>, %arg20: memref<!tpu.dma_semaphore, #tpu.memory_space<semaphore_mem>>, %arg21: memref<!tpu.dma_semaphore, #tpu.memory_space<semaphore_mem>>, %arg22: memref<!tpu.dma_semaphore, #tpu.memory_space<semaphore_mem>>, %arg23: memref<!tpu.dma_semaphore, #tpu.memory_space<semaphore_mem>>, %arg24: memref<!tpu.dma_semaphore, #tpu.memory_space<semaphore_mem>>, %arg25: memref<10000x128xf32, #tpu.memory_space<vmem_shared>>) attributes {dimension_semantics = [#tpu.dimension_semantics<core_parallel>, #tpu.dimension_semantics<subcore_parallel>], iteration_bounds = array<i64: 2, 16>, scalar_prefetch = 0 : i64, scratch_operands = 19 : i64, tpu.core_type = #tpu.core_type<sc_vector_subcore>, window_params = [{transform_indices = #map}, {transform_indices = #map}, {transform_indices = #map1}, {transform_indices = #map1}, {transform_indices = #map2}]} {
    %mul3A = arith.constant 16 : i32
    %mul3A_0 = arith.muli %arg0, %mul3A : i32
    %add3A = arith.addi %mul3A_0, %arg1 : i32
    %scan3A = arith.constant 0 : i32
    %scan3A_1 = arith.constant 0 : i32
    %scan3A_2 = arith.constant 48 : i32
    %scan3A_3 = arith.addi %scan3A_1, %scan3A_2 : i32
    %scan3A_4 = arith.constant 1 : i32
    %scan3A_5 = scf.for %scan3A_110 = %scan3A_1 to %scan3A_3 step %scan3A_4 iter_args(%scan3A_111 = %scan3A) -> (i32)  : i32 {
      %broadcast_in_dim3A = arith.constant 0.000000e+00 : f32
      %broadcast_in_dim3A_112 = vector.broadcast %broadcast_in_dim3A : f32 to vector<16xf32>
      %swap3A = arith.index_cast %scan3A_110 : i32 to index
      %swap3A_113 = arith.constant 0 : index
      %swap3A_114 = tpu.vector_load %arg11[%swap3A, %swap3A_113] {strides = array<i32>} : memref<64x128xf32, #tpu.memory_space<vmem>>, vector<1x16xf32>,
      %swap3A_115 = vector.shape_cast %swap3A_114 : vector<1x16xf32> to vector<16xf32>
      %swap3A_116 = vector.shape_cast %broadcast_in_dim3A_112 : vector<16xf32> to vector<1x16xf32>
      tpu.vector_store %arg11[%swap3A, %swap3A_113], %swap3A_116 {strides = array<i32>} : memref<64x128xf32, #tpu.memory_space<vmem>>, vector<1x16xf32>,
      %broadcast_in_dim3A_117 = arith.constant 0.000000e+00 : f32
      %broadcast_in_dim3A_118 = vector.broadcast %broadcast_in_dim3A_117 : f32 to vector<16xf32>
      %swap3A_119 = arith.index_cast %scan3A_110 : i32 to index
      %swap3A_120 = arith.constant 16 : index
      %swap3A_121 = tpu.vector_load %arg11[%swap3A_119, %swap3A_120] {strides = array<i32>} : memref<64x128xf32, #tpu.memory_space<vmem>>, vector<1x16xf32>,
      %swap3A_122 = vector.shape_cast %swap3A_121 : vector<1x16xf32> to vector<16xf32>
      %swap3A_123 = vector.shape_cast %broadcast_in_dim3A_118 : vector<16xf32> to vector<1x16xf32>
      tpu.vector_store %arg11[%swap3A_119, %swap3A_120], %swap3A_123 {strides = array<i32>} : memref<64x128xf32, #tpu.memory_space<vmem>>, vector<1x16xf32>,
      %broadcast_in_dim3A_124 = arith.constant 0.000000e+00 : f32
      %broadcast_in_dim3A_125 = vector.broadcast %broadcast_in_dim3A_124 : f32 to vector<16xf32>
      %swap3A_126 = arith.index_cast %scan3A_110 : i32 to index
      %swap3A_127 = arith.constant 32 : index
      %swap3A_128 = tpu.vector_load %arg11[%swap3A_126, %swap3A_127] {strides = array<i32>} : memref<64x128xf32, #tpu.memory_space<vmem>>, vector<1x16xf32>,
      %swap3A_129 = vector.shape_cast %swap3A_128 : vector<1x16xf32> to vector<16xf32>
      %swap3A_130 = vector.shape_cast %broadcast_in_dim3A_125 : vector<16xf32> to vector<1x16xf32>
      tpu.vector_store %arg11[%swap3A_126, %swap3A_127], %swap3A_130 {strides = array<i32>} : memref<64x128xf32, #tpu.memory_space<vmem>>, vector<1x16xf32>,
      %broadcast_in_dim3A_131 = arith.constant 0.000000e+00 : f32
      %broadcast_in_dim3A_132 = vector.broadcast %broadcast_in_dim3A_131 : f32 to vector<16xf32>
      %swap3A_133 = arith.index_cast %scan3A_110 : i32 to index
      %swap3A_134 = arith.constant 48 : index
      %swap3A_135 = tpu.vector_load %arg11[%swap3A_133, %swap3A_134] {strides = array<i32>} : memref<64x128xf32, #tpu.memory_space<vmem>>, vector<1x16xf32>,
      %swap3A_136 = vector.shape_cast %swap3A_135 : vector<1x16xf32> to vector<16xf32>
      %swap3A_137 = vector.shape_cast %broadcast_in_dim3A_132 : vector<16xf32> to vector<1x16xf32>
      tpu.vector_store %arg11[%swap3A_133, %swap3A_134], %swap3A_137 {strides = array<i32>} : memref<64x128xf32, #tpu.memory_space<vmem>>, vector<1x16xf32>,
      %broadcast_in_dim3A_138 = arith.constant 0.000000e+00 : f32
      %broadcast_in_dim3A_139 = vector.broadcast %broadcast_in_dim3A_138 : f32 to vector<16xf32>
      %swap3A_140 = arith.index_cast %scan3A_110 : i32 to index
      %swap3A_141 = arith.constant 64 : index
      %swap3A_142 = tpu.vector_load %arg11[%swap3A_140, %swap3A_141] {strides = array<i32>} : memref<64x128xf32, #tpu.memory_space<vmem>>, vector<1x16xf32>,
      %swap3A_143 = vector.shape_cast %swap3A_142 : vector<1x16xf32> to vector<16xf32>
      %swap3A_144 = vector.shape_cast %broadcast_in_dim3A_139 : vector<16xf32> to vector<1x16xf32>
      tpu.vector_store %arg11[%swap3A_140, %swap3A_141], %swap3A_144 {strides = array<i32>} : memref<64x128xf32, #tpu.memory_space<vmem>>, vector<1x16xf32>,
      %broadcast_in_dim3A_145 = arith.constant 0.000000e+00 : f32
      %broadcast_in_dim3A_146 = vector.broadcast %broadcast_in_dim3A_145 : f32 to vector<16xf32>
      %swap3A_147 = arith.index_cast %scan3A_110 : i32 to index
      %swap3A_148 = arith.constant 80 : index
      %swap3A_149 = tpu.vector_load %arg11[%swap3A_147, %swap3A_148] {strides = array<i32>} : memref<64x128xf32, #tpu.memory_space<vmem>>, vector<1x16xf32>,
      %swap3A_150 = vector.shape_cast %swap3A_149 : vector<1x16xf32> to vector<16xf32>
      %swap3A_151 = vector.shape_cast %broadcast_in_dim3A_146 : vector<16xf32> to vector<1x16xf32>
      tpu.vector_store %arg11[%swap3A_147, %swap3A_148], %swap3A_151 {strides = array<i32>} : memref<64x128xf32, #tpu.memory_space<vmem>>, vector<1x16xf32>,
      %broadcast_in_dim3A_152 = arith.constant 0.000000e+00 : f32
      %broadcast_in_dim3A_153 = vector.broadcast %broadcast_in_dim3A_152 : f32 to vector<16xf32>
      %swap3A_154 = arith.index_cast %scan3A_110 : i32 to index
      %swap3A_155 = arith.constant 96 : index
      %swap3A_156 = tpu.vector_load %arg11[%swap3A_154, %swap3A_155] {strides = array<i32>} : memref<64x128xf32, #tpu.memory_space<vmem>>, vector<1x16xf32>,
      %swap3A_157 = vector.shape_cast %swap3A_156 : vector<1x16xf32> to vector<16xf32>
      %swap3A_158 = vector.shape_cast %broadcast_in_dim3A_153 : vector<16xf32> to vector<1x16xf32>
      tpu.vector_store %arg11[%swap3A_154, %swap3A_155], %swap3A_158 {strides = array<i32>} : memref<64x128xf32, #tpu.memory_space<vmem>>, vector<1x16xf32>,
      %broadcast_in_dim3A_159 = arith.constant 0.000000e+00 : f32
      %broadcast_in_dim3A_160 = vector.broadcast %broadcast_in_dim3A_159 : f32 to vector<16xf32>
      %swap3A_161 = arith.index_cast %scan3A_110 : i32 to index
      %swap3A_162 = arith.constant 112 : index
      %swap3A_163 = tpu.vector_load %arg11[%swap3A_161, %swap3A_162] {strides = array<i32>} : memref<64x128xf32, #tpu.memory_space<vmem>>, vector<1x16xf32>,
      %swap3A_164 = vector.shape_cast %swap3A_163 : vector<1x16xf32> to vector<16xf32>
      %swap3A_165 = vector.shape_cast %broadcast_in_dim3A_160 : vector<16xf32> to vector<1x16xf32>
      tpu.vector_store %arg11[%swap3A_161, %swap3A_162], %swap3A_165 {strides = array<i32>} : memref<64x128xf32, #tpu.memory_space<vmem>>, vector<1x16xf32>,
      %scan3A_166 = arith.constant 0 : i32
      scf.yield %scan3A_166 : i32
    }
    %scan3A_6 = arith.constant 48 : i32
    %mul3A_7 = arith.constant 624 : i32
    %mul3A_8 = arith.muli %arg1, %mul3A_7 : i32
    %multiple_of3A = tpu.assume_multiple %mul3A_8, 16 : i32
    %add3A_9 = arith.constant 0 : i32
    %add3A_10 = arith.addi %multiple_of3A, %add3A_9 : i32
    "tpu.region"() ({
      %run_scoped3A = tpu.sem_alloc : memref<!tpu.dma_semaphore, #tpu.memory_space<semaphore_mem>>
      %dma_start3A_110 = arith.constant 0 : i32
      %dma_start3A_111 = arith.constant 0 : i32
      %dma_start3A_112 = tpu.memref_slice %arg11[%dma_start3A_110, %dma_start3A_111] : memref<64x128xf32, #tpu.memory_space<vmem>> -> memref<48x128xf32, #tpu.memory_space<vmem>>
      %dma_start3A_113 = arith.constant 0 : i32
      %dma_start3A_114 = tpu.memref_slice %arg25[%add3A_10, %dma_start3A_113] : memref<10000x128xf32, #tpu.memory_space<vmem_shared>> -> memref<48x128xf32, #tpu.memory_space<vmem_shared>>
      %dma_start3A_115 = arith.constant 0 : i32
      %dma_start3A_116 = tpu.memref_slice %arg25[%add3A_10, %dma_start3A_115] : memref<10000x128xf32, #tpu.memory_space<vmem_shared>> -> memref<48x128xf32, #tpu.memory_space<vmem_shared>>
      %dma_start3A_117 = arith.constant 0 : i32
      %dma_start3A_118 = arith.constant 0 : i32
      %dma_start3A_119 = tpu.memref_slice %arg11[%dma_start3A_117, %dma_start3A_118] : memref<64x128xf32, #tpu.memory_space<vmem>> -> memref<48x128xf32, #tpu.memory_space<vmem>>
      tpu.enqueue_dma source(%dma_start3A_119 : memref<48x128xf32, #tpu.memory_space<vmem>>) target(%dma_start3A_116 : memref<48x128xf32, #tpu.memory_space<vmem_shared>>) target_semaphore(%run_scoped3A : memref<!tpu.dma_semaphore, #tpu.memory_space<semaphore_mem>>)
      %dma_wait3A_120 = arith.constant 0 : i32
      %dma_wait3A_121 = arith.constant 0 : i32
      %dma_wait3A_122 = tpu.memref_slice %arg11[%dma_wait3A_120, %dma_wait3A_121] : memref<64x128xf32, #tpu.memory_space<vmem>> -> memref<48x128xf32, #tpu.memory_space<vmem>>
      %dma_wait3A_123 = arith.constant 0 : i32
      %dma_wait3A_124 = tpu.memref_slice %arg25[%add3A_10, %dma_wait3A_123] : memref<10000x128xf32, #tpu.memory_space<vmem_shared>> -> memref<48x128xf32, #tpu.memory_space<vmem_shared>>
      %dma_wait3A_125 = arith.constant 0 : i32
      %dma_wait3A_126 = tpu.memref_slice %arg25[%add3A_10, %dma_wait3A_125] : memref<10000x128xf32, #tpu.memory_space<vmem_shared>> -> memref<48x128xf32, #tpu.memory_space<vmem_shared>>
      %dma_wait3A_127 = arith.constant 0 : i32
      %dma_wait3A_128 = arith.constant 0 : i32
      %dma_wait3A_129 = tpu.memref_slice %arg11[%dma_wait3A_127, %dma_wait3A_128] : memref<64x128xf32, #tpu.memory_space<vmem>> -> memref<48x128xf32, #tpu.memory_space<vmem>>
      tpu.wait_dma2 semaphore(%run_scoped3A : memref<!tpu.dma_semaphore, #tpu.memory_space<semaphore_mem>>) src(%dma_wait3A_129 : memref<48x128xf32, #tpu.memory_space<vmem>>) dst(%dma_wait3A_126 : memref<48x128xf32, #tpu.memory_space<vmem_shared>>)
      tpu.yield
    }) : () -> ()
    %add3A_11 = arith.constant 48 : i32
    %add3A_12 = arith.addi %multiple_of3A, %add3A_11 : i32
    "tpu.region"() ({
      %run_scoped3A = tpu.sem_alloc : memref<!tpu.dma_semaphore, #tpu.memory_space<semaphore_mem>>
      %dma_start3A_110 = arith.constant 0 : i32
      %dma_start3A_111 = arith.constant 0 : i32
      %dma_start3A_112 = tpu.memref_slice %arg11[%dma_start3A_110, %dma_start3A_111] : memref<64x128xf32, #tpu.memory_space<vmem>> -> memref<48x128xf32, #tpu.memory_space<vmem>>
      %dma_start3A_113 = arith.constant 0 : i32
      %dma_start3A_114 = tpu.memref_slice %arg25[%add3A_12, %dma_start3A_113] : memref<10000x128xf32, #tpu.memory_space<vmem_shared>> -> memref<48x128xf32, #tpu.memory_space<vmem_shared>>
      %dma_start3A_115 = arith.constant 0 : i32
      %dma_start3A_116 = tpu.memref_slice %arg25[%add3A_12, %dma_start3A_115] : memref<10000x128xf32, #tpu.memory_space<vmem_shared>> -> memref<48x128xf32, #tpu.memory_space<vmem_shared>>
      %dma_start3A_117 = arith.constant 0 : i32
      %dma_start3A_118 = arith.constant 0 : i32
      %dma_start3A_119 = tpu.memref_slice %arg11[%dma_start3A_117, %dma_start3A_118] : memref<64x128xf32, #tpu.memory_space<vmem>> -> memref<48x128xf32, #tpu.memory_space<vmem>>
      tpu.enqueue_dma source(%dma_start3A_119 : memref<48x128xf32, #tpu.memory_space<vmem>>) target(%dma_start3A_116 : memref<48x128xf32, #tpu.memory_space<vmem_shared>>) target_semaphore(%run_scoped3A : memref<!tpu.dma_semaphore, #tpu.memory_space<semaphore_mem>>)
      %dma_wait3A_120 = arith.constant 0 : i32
      %dma_wait3A_121 = arith.constant 0 : i32
      %dma_wait3A_122 = tpu.memref_slice %arg11[%dma_wait3A_120, %dma_wait3A_121] : memref<64x128xf32, #tpu.memory_space<vmem>> -> memref<48x128xf32, #tpu.memory_space<vmem>>
      %dma_wait3A_123 = arith.constant 0 : i32
      %dma_wait3A_124 = tpu.memref_slice %arg25[%add3A_12, %dma_wait3A_123] : memref<10000x128xf32, #tpu.memory_space<vmem_shared>> -> memref<48x128xf32, #tpu.memory_space<vmem_shared>>
      %dma_wait3A_125 = arith.constant 0 : i32
      %dma_wait3A_126 = tpu.memref_slice %arg25[%add3A_12, %dma_wait3A_125] : memref<10000x128xf32, #tpu.memory_space<vmem_shared>> -> memref<48x128xf32, #tpu.memory_space<vmem_shared>>
      %dma_wait3A_127 = arith.constant 0 : i32
      %dma_wait3A_128 = arith.constant 0 : i32
      %dma_wait3A_129 = tpu.memref_slice %arg11[%dma_wait3A_127, %dma_wait3A_128] : memref<64x128xf32, #tpu.memory_space<vmem>> -> memref<48x128xf32, #tpu.memory_space<vmem>>
      tpu.wait_dma2 semaphore(%run_scoped3A : memref<!tpu.dma_semaphore, #tpu.memory_space<semaphore_mem>>) src(%dma_wait3A_129 : memref<48x128xf32, #tpu.memory_space<vmem>>) dst(%dma_wait3A_126 : memref<48x128xf32, #tpu.memory_space<vmem_shared>>)
      tpu.yield
    }) : () -> ()
    %add3A_13 = arith.constant 96 : i32
    %add3A_14 = arith.addi %multiple_of3A, %add3A_13 : i32
    "tpu.region"() ({
      %run_scoped3A = tpu.sem_alloc : memref<!tpu.dma_semaphore, #tpu.memory_space<semaphore_mem>>
      %dma_start3A_110 = arith.constant 0 : i32
      %dma_start3A_111 = arith.constant 0 : i32
      %dma_start3A_112 = tpu.memref_slice %arg11[%dma_start3A_110, %dma_start3A_111] : memref<64x128xf32, #tpu.memory_space<vmem>> -> memref<48x128xf32, #tpu.memory_space<vmem>>
      %dma_start3A_113 = arith.constant 0 : i32
      %dma_start3A_114 = tpu.memref_slice %arg25[%add3A_14, %dma_start3A_113] : memref<10000x128xf32, #tpu.memory_space<vmem_shared>> -> memref<48x128xf32, #tpu.memory_space<vmem_shared>>
      %dma_start3A_115 = arith.constant 0 : i32
      %dma_start3A_116 = tpu.memref_slice %arg25[%add3A_14, %dma_start3A_115] : memref<10000x128xf32, #tpu.memory_space<vmem_shared>> -> memref<48x128xf32, #tpu.memory_space<vmem_shared>>
      %dma_start3A_117 = arith.constant 0 : i32
      %dma_start3A_118 = arith.constant 0 : i32
      %dma_start3A_119 = tpu.memref_slice %arg11[%dma_start3A_117, %dma_start3A_118] : memref<64x128xf32, #tpu.memory_space<vmem>> -> memref<48x128xf32, #tpu.memory_space<vmem>>
      tpu.enqueue_dma source(%dma_start3A_119 : memref<48x128xf32, #tpu.memory_space<vmem>>) target(%dma_start3A_116 : memref<48x128xf32, #tpu.memory_space<vmem_shared>>) target_semaphore(%run_scoped3A : memref<!tpu.dma_semaphore, #tpu.memory_space<semaphore_mem>>)
      %dma_wait3A_120 = arith.constant 0 : i32
      %dma_wait3A_121 = arith.constant 0 : i32
      %dma_wait3A_122 = tpu.memref_slice %arg11[%dma_wait3A_120, %dma_wait3A_121] : memref<64x128xf32, #tpu.memory_space<vmem>> -> memref<48x128xf32, #tpu.memory_space<vmem>>
      %dma_wait3A_123 = arith.constant 0 : i32
      %dma_wait3A_124 = tpu.memref_slice %arg25[%add3A_14, %dma_wait3A_123] : memref<10000x128xf32, #tpu.memory_space<vmem_shared>> -> memref<48x128xf32, #tpu.memory_space<vmem_shared>>
      %dma_wait3A_125 = arith.constant 0 : i32
      %dma_wait3A_126 = tpu.memref_slice %arg25[%add3A_14, %dma_wait3A_125] : memref<10000x128xf32, #tpu.memory_space<vmem_shared>> -> memref<48x128xf32, #tpu.memory_space<vmem_shared>>
      %dma_wait3A_127 = arith.constant 0 : i32
      %dma_wait3A_128 = arith.constant 0 : i32
      %dma_wait3A_129 = tpu.memref_slice %arg11[%dma_wait3A_127, %dma_wait3A_128] : memref<64x128xf32, #tpu.memory_space<vmem>> -> memref<48x128xf32, #tpu.memory_space<vmem>>
      tpu.wait_dma2 semaphore(%run_scoped3A : memref<!tpu.dma_semaphore, #tpu.memory_space<semaphore_mem>>) src(%dma_wait3A_129 : memref<48x128xf32, #tpu.memory_space<vmem>>) dst(%dma_wait3A_126 : memref<48x128xf32, #tpu.memory_space<vmem_shared>>)
      tpu.yield
    }) : () -> ()
    %add3A_15 = arith.constant 144 : i32
    %add3A_16 = arith.addi %multiple_of3A, %add3A_15 : i32
    "tpu.region"() ({
      %run_scoped3A = tpu.sem_alloc : memref<!tpu.dma_semaphore, #tpu.memory_space<semaphore_mem>>
      %dma_start3A_110 = arith.constant 0 : i32
      %dma_start3A_111 = arith.constant 0 : i32
      %dma_start3A_112 = tpu.memref_slice %arg11[%dma_start3A_110, %dma_start3A_111] : memref<64x128xf32, #tpu.memory_space<vmem>> -> memref<48x128xf32, #tpu.memory_space<vmem>>
      %dma_start3A_113 = arith.constant 0 : i32
      %dma_start3A_114 = tpu.memref_slice %arg25[%add3A_16, %dma_start3A_113] : memref<10000x128xf32, #tpu.memory_space<vmem_shared>> -> memref<48x128xf32, #tpu.memory_space<vmem_shared>>
      %dma_start3A_115 = arith.constant 0 : i32
      %dma_start3A_116 = tpu.memref_slice %arg25[%add3A_16, %dma_start3A_115] : memref<10000x128xf32, #tpu.memory_space<vmem_shared>> -> memref<48x128xf32, #tpu.memory_space<vmem_shared>>
      %dma_start3A_117 = arith.constant 0 : i32
      %dma_start3A_118 = arith.constant 0 : i32
      %dma_start3A_119 = tpu.memref_slice %arg11[%dma_start3A_117, %dma_start3A_118] : memref<64x128xf32, #tpu.memory_space<vmem>> -> memref<48x128xf32, #tpu.memory_space<vmem>>
      tpu.enqueue_dma source(%dma_start3A_119 : memref<48x128xf32, #tpu.memory_space<vmem>>) target(%dma_start3A_116 : memref<48x128xf32, #tpu.memory_space<vmem_shared>>) target_semaphore(%run_scoped3A : memref<!tpu.dma_semaphore, #tpu.memory_space<semaphore_mem>>)
      %dma_wait3A_120 = arith.constant 0 : i32
      %dma_wait3A_121 = arith.constant 0 : i32
      %dma_wait3A_122 = tpu.memref_slice %arg11[%dma_wait3A_120, %dma_wait3A_121] : memref<64x128xf32, #tpu.memory_space<vmem>> -> memref<48x128xf32, #tpu.memory_space<vmem>>
      %dma_wait3A_123 = arith.constant 0 : i32
      %dma_wait3A_124 = tpu.memref_slice %arg25[%add3A_16, %dma_wait3A_123] : memref<10000x128xf32, #tpu.memory_space<vmem_shared>> -> memref<48x128xf32, #tpu.memory_space<vmem_shared>>
      %dma_wait3A_125 = arith.constant 0 : i32
      %dma_wait3A_126 = tpu.memref_slice %arg25[%add3A_16, %dma_wait3A_125] : memref<10000x128xf32, #tpu.memory_space<vmem_shared>> -> memref<48x128xf32, #tpu.memory_space<vmem_shared>>
      %dma_wait3A_127 = arith.constant 0 : i32
      %dma_wait3A_128 = arith.constant 0 : i32
      %dma_wait3A_129 = tpu.memref_slice %arg11[%dma_wait3A_127, %dma_wait3A_128] : memref<64x128xf32, #tpu.memory_space<vmem>> -> memref<48x128xf32, #tpu.memory_space<vmem>>
      tpu.wait_dma2 semaphore(%run_scoped3A : memref<!tpu.dma_semaphore, #tpu.memory_space<semaphore_mem>>) src(%dma_wait3A_129 : memref<48x128xf32, #tpu.memory_space<vmem>>) dst(%dma_wait3A_126 : memref<48x128xf32, #tpu.memory_space<vmem_shared>>)
      tpu.yield
    }) : () -> ()
    %add3A_17 = arith.constant 192 : i32
    %add3A_18 = arith.addi %multiple_of3A, %add3A_17 : i32
    "tpu.region"() ({
      %run_scoped3A = tpu.sem_alloc : memref<!tpu.dma_semaphore, #tpu.memory_space<semaphore_mem>>
      %dma_start3A_110 = arith.constant 0 : i32
      %dma_start3A_111 = arith.constant 0 : i32
      %dma_start3A_112 = tpu.memref_slice %arg11[%dma_start3A_110, %dma_start3A_111] : memref<64x128xf32, #tpu.memory_space<vmem>> -> memref<48x128xf32, #tpu.memory_space<vmem>>
      %dma_start3A_113 = arith.constant 0 : i32
      %dma_start3A_114 = tpu.memref_slice %arg25[%add3A_18, %dma_start3A_113] : memref<10000x128xf32, #tpu.memory_space<vmem_shared>> -> memref<48x128xf32, #tpu.memory_space<vmem_shared>>
      %dma_start3A_115 = arith.constant 0 : i32
      %dma_start3A_116 = tpu.memref_slice %arg25[%add3A_18, %dma_start3A_115] : memref<10000x128xf32, #tpu.memory_space<vmem_shared>> -> memref<48x128xf32, #tpu.memory_space<vmem_shared>>
      %dma_start3A_117 = arith.constant 0 : i32
      %dma_start3A_118 = arith.constant 0 : i32
      %dma_start3A_119 = tpu.memref_slice %arg11[%dma_start3A_117, %dma_start3A_118] : memref<64x128xf32, #tpu.memory_space<vmem>> -> memref<48x128xf32, #tpu.memory_space<vmem>>
      tpu.enqueue_dma source(%dma_start3A_119 : memref<48x128xf32, #tpu.memory_space<vmem>>) target(%dma_start3A_116 : memref<48x128xf32, #tpu.memory_space<vmem_shared>>) target_semaphore(%run_scoped3A : memref<!tpu.dma_semaphore, #tpu.memory_space<semaphore_mem>>)
      %dma_wait3A_120 = arith.constant 0 : i32
      %dma_wait3A_121 = arith.constant 0 : i32
      %dma_wait3A_122 = tpu.memref_slice %arg11[%dma_wait3A_120, %dma_wait3A_121] : memref<64x128xf32, #tpu.memory_space<vmem>> -> memref<48x128xf32, #tpu.memory_space<vmem>>
      %dma_wait3A_123 = arith.constant 0 : i32
      %dma_wait3A_124 = tpu.memref_slice %arg25[%add3A_18, %dma_wait3A_123] : memref<10000x128xf32, #tpu.memory_space<vmem_shared>> -> memref<48x128xf32, #tpu.memory_space<vmem_shared>>
      %dma_wait3A_125 = arith.constant 0 : i32
      %dma_wait3A_126 = tpu.memref_slice %arg25[%add3A_18, %dma_wait3A_125] : memref<10000x128xf32, #tpu.memory_space<vmem_shared>> -> memref<48x128xf32, #tpu.memory_space<vmem_shared>>
      %dma_wait3A_127 = arith.constant 0 : i32
      %dma_wait3A_128 = arith.constant 0 : i32
      %dma_wait3A_129 = tpu.memref_slice %arg11[%dma_wait3A_127, %dma_wait3A_128] : memref<64x128xf32, #tpu.memory_space<vmem>> -> memref<48x128xf32, #tpu.memory_space<vmem>>
      tpu.wait_dma2 semaphore(%run_scoped3A : memref<!tpu.dma_semaphore, #tpu.memory_space<semaphore_mem>>) src(%dma_wait3A_129 : memref<48x128xf32, #tpu.memory_space<vmem>>) dst(%dma_wait3A_126 : memref<48x128xf32, #tpu.memory_space<vmem_shared>>)
      tpu.yield
    }) : () -> ()
    %add3A_19 = arith.constant 240 : i32
    %add3A_20 = arith.addi %multiple_of3A, %add3A_19 : i32
    "tpu.region"() ({
      %run_scoped3A = tpu.sem_alloc : memref<!tpu.dma_semaphore, #tpu.memory_space<semaphore_mem>>
      %dma_start3A_110 = arith.constant 0 : i32
      %dma_start3A_111 = arith.constant 0 : i32
      %dma_start3A_112 = tpu.memref_slice %arg11[%dma_start3A_110, %dma_start3A_111] : memref<64x128xf32, #tpu.memory_space<vmem>> -> memref<48x128xf32, #tpu.memory_space<vmem>>
      %dma_start3A_113 = arith.constant 0 : i32
      %dma_start3A_114 = tpu.memref_slice %arg25[%add3A_20, %dma_start3A_113] : memref<10000x128xf32, #tpu.memory_space<vmem_shared>> -> memref<48x128xf32, #tpu.memory_space<vmem_shared>>
      %dma_start3A_115 = arith.constant 0 : i32
      %dma_start3A_116 = tpu.memref_slice %arg25[%add3A_20, %dma_start3A_115] : memref<10000x128xf32, #tpu.memory_space<vmem_shared>> -> memref<48x128xf32, #tpu.memory_space<vmem_shared>>
      %dma_start3A_117 = arith.constant 0 : i32
      %dma_start3A_118 = arith.constant 0 : i32
      %dma_start3A_119 = tpu.memref_slice %arg11[%dma_start3A_117, %dma_start3A_118] : memref<64x128xf32, #tpu.memory_space<vmem>> -> memref<48x128xf32, #tpu.memory_space<vmem>>
      tpu.enqueue_dma source(%dma_start3A_119 : memref<48x128xf32, #tpu.memory_space<vmem>>) target(%dma_start3A_116 : memref<48x128xf32, #tpu.memory_space<vmem_shared>>) target_semaphore(%run_scoped3A : memref<!tpu.dma_semaphore, #tpu.memory_space<semaphore_mem>>)
      %dma_wait3A_120 = arith.constant 0 : i32
      %dma_wait3A_121 = arith.constant 0 : i32
      %dma_wait3A_122 = tpu.memref_slice %arg11[%dma_wait3A_120, %dma_wait3A_121] : memref<64x128xf32, #tpu.memory_space<vmem>> -> memref<48x128xf32, #tpu.memory_space<vmem>>
      %dma_wait3A_123 = arith.constant 0 : i32
      %dma_wait3A_124 = tpu.memref_slice %arg25[%add3A_20, %dma_wait3A_123] : memref<10000x128xf32, #tpu.memory_space<vmem_shared>> -> memref<48x128xf32, #tpu.memory_space<vmem_shared>>
      %dma_wait3A_125 = arith.constant 0 : i32
      %dma_wait3A_126 = tpu.memref_slice %arg25[%add3A_20, %dma_wait3A_125] : memref<10000x128xf32, #tpu.memory_space<vmem_shared>> -> memref<48x128xf32, #tpu.memory_space<vmem_shared>>
      %dma_wait3A_127 = arith.constant 0 : i32
      %dma_wait3A_128 = arith.constant 0 : i32
      %dma_wait3A_129 = tpu.memref_slice %arg11[%dma_wait3A_127, %dma_wait3A_128] : memref<64x128xf32, #tpu.memory_space<vmem>> -> memref<48x128xf32, #tpu.memory_space<vmem>>
      tpu.wait_dma2 semaphore(%run_scoped3A : memref<!tpu.dma_semaphore, #tpu.memory_space<semaphore_mem>>) src(%dma_wait3A_129 : memref<48x128xf32, #tpu.memory_space<vmem>>) dst(%dma_wait3A_126 : memref<48x128xf32, #tpu.memory_space<vmem_shared>>)
      tpu.yield
    }) : () -> ()
    %add3A_21 = arith.constant 288 : i32
    %add3A_22 = arith.addi %multiple_of3A, %add3A_21 : i32
    "tpu.region"() ({
      %run_scoped3A = tpu.sem_alloc : memref<!tpu.dma_semaphore, #tpu.memory_space<semaphore_mem>>
      %dma_start3A_110 = arith.constant 0 : i32
      %dma_start3A_111 = arith.constant 0 : i32
      %dma_start3A_112 = tpu.memref_slice %arg11[%dma_start3A_110, %dma_start3A_111] : memref<64x128xf32, #tpu.memory_space<vmem>> -> memref<48x128xf32, #tpu.memory_space<vmem>>
      %dma_start3A_113 = arith.constant 0 : i32
      %dma_start3A_114 = tpu.memref_slice %arg25[%add3A_22, %dma_start3A_113] : memref<10000x128xf32, #tpu.memory_space<vmem_shared>> -> memref<48x128xf32, #tpu.memory_space<vmem_shared>>
      %dma_start3A_115 = arith.constant 0 : i32
      %dma_start3A_116 = tpu.memref_slice %arg25[%add3A_22, %dma_start3A_115] : memref<10000x128xf32, #tpu.memory_space<vmem_shared>> -> memref<48x128xf32, #tpu.memory_space<vmem_shared>>
      %dma_start3A_117 = arith.constant 0 : i32
      %dma_start3A_118 = arith.constant 0 : i32
      %dma_start3A_119 = tpu.memref_slice %arg11[%dma_start3A_117, %dma_start3A_118] : memref<64x128xf32, #tpu.memory_space<vmem>> -> memref<48x128xf32, #tpu.memory_space<vmem>>
      tpu.enqueue_dma source(%dma_start3A_119 : memref<48x128xf32, #tpu.memory_space<vmem>>) target(%dma_start3A_116 : memref<48x128xf32, #tpu.memory_space<vmem_shared>>) target_semaphore(%run_scoped3A : memref<!tpu.dma_semaphore, #tpu.memory_space<semaphore_mem>>)
      %dma_wait3A_120 = arith.constant 0 : i32
      %dma_wait3A_121 = arith.constant 0 : i32
      %dma_wait3A_122 = tpu.memref_slice %arg11[%dma_wait3A_120, %dma_wait3A_121] : memref<64x128xf32, #tpu.memory_space<vmem>> -> memref<48x128xf32, #tpu.memory_space<vmem>>
      %dma_wait3A_123 = arith.constant 0 : i32
      %dma_wait3A_124 = tpu.memref_slice %arg25[%add3A_22, %dma_wait3A_123] : memref<10000x128xf32, #tpu.memory_space<vmem_shared>> -> memref<48x128xf32, #tpu.memory_space<vmem_shared>>
      %dma_wait3A_125 = arith.constant 0 : i32
      %dma_wait3A_126 = tpu.memref_slice %arg25[%add3A_22, %dma_wait3A_125] : memref<10000x128xf32, #tpu.memory_space<vmem_shared>> -> memref<48x128xf32, #tpu.memory_space<vmem_shared>>
      %dma_wait3A_127 = arith.constant 0 : i32
      %dma_wait3A_128 = arith.constant 0 : i32
      %dma_wait3A_129 = tpu.memref_slice %arg11[%dma_wait3A_127, %dma_wait3A_128] : memref<64x128xf32, #tpu.memory_space<vmem>> -> memref<48x128xf32, #tpu.memory_space<vmem>>
      tpu.wait_dma2 semaphore(%run_scoped3A : memref<!tpu.dma_semaphore, #tpu.memory_space<semaphore_mem>>) src(%dma_wait3A_129 : memref<48x128xf32, #tpu.memory_space<vmem>>) dst(%dma_wait3A_126 : memref<48x128xf32, #tpu.memory_space<vmem_shared>>)
      tpu.yield
    }) : () -> ()
    %add3A_23 = arith.constant 336 : i32
    %add3A_24 = arith.addi %multiple_of3A, %add3A_23 : i32
    "tpu.region"() ({
      %run_scoped3A = tpu.sem_alloc : memref<!tpu.dma_semaphore, #tpu.memory_space<semaphore_mem>>
      %dma_start3A_110 = arith.constant 0 : i32
      %dma_start3A_111 = arith.constant 0 : i32
      %dma_start3A_112 = tpu.memref_slice %arg11[%dma_start3A_110, %dma_start3A_111] : memref<64x128xf32, #tpu.memory_space<vmem>> -> memref<48x128xf32, #tpu.memory_space<vmem>>
      %dma_start3A_113 = arith.constant 0 : i32
      %dma_start3A_114 = tpu.memref_slice %arg25[%add3A_24, %dma_start3A_113] : memref<10000x128xf32, #tpu.memory_space<vmem_shared>> -> memref<48x128xf32, #tpu.memory_space<vmem_shared>>
      %dma_start3A_115 = arith.constant 0 : i32
      %dma_start3A_116 = tpu.memref_slice %arg25[%add3A_24, %dma_start3A_115] : memref<10000x128xf32, #tpu.memory_space<vmem_shared>> -> memref<48x128xf32, #tpu.memory_space<vmem_shared>>
      %dma_start3A_117 = arith.constant 0 : i32
      %dma_start3A_118 = arith.constant 0 : i32
      %dma_start3A_119 = tpu.memref_slice %arg11[%dma_start3A_117, %dma_start3A_118] : memref<64x128xf32, #tpu.memory_space<vmem>> -> memref<48x128xf32, #tpu.memory_space<vmem>>
      tpu.enqueue_dma source(%dma_start3A_119 : memref<48x128xf32, #tpu.memory_space<vmem>>) target(%dma_start3A_116 : memref<48x128xf32, #tpu.memory_space<vmem_shared>>) target_semaphore(%run_scoped3A : memref<!tpu.dma_semaphore, #tpu.memory_space<semaphore_mem>>)
      %dma_wait3A_120 = arith.constant 0 : i32
      %dma_wait3A_121 = arith.constant 0 : i32
      %dma_wait3A_122 = tpu.memref_slice %arg11[%dma_wait3A_120, %dma_wait3A_121] : memref<64x128xf32, #tpu.memory_space<vmem>> -> memref<48x128xf32, #tpu.memory_space<vmem>>
      %dma_wait3A_123 = arith.constant 0 : i32
      %dma_wait3A_124 = tpu.memref_slice %arg25[%add3A_24, %dma_wait3A_123] : memref<10000x128xf32, #tpu.memory_space<vmem_shared>> -> memref<48x128xf32, #tpu.memory_space<vmem_shared>>
      %dma_wait3A_125 = arith.constant 0 : i32
      %dma_wait3A_126 = tpu.memref_slice %arg25[%add3A_24, %dma_wait3A_125] : memref<10000x128xf32, #tpu.memory_space<vmem_shared>> -> memref<48x128xf32, #tpu.memory_space<vmem_shared>>
      %dma_wait3A_127 = arith.constant 0 : i32
      %dma_wait3A_128 = arith.constant 0 : i32
      %dma_wait3A_129 = tpu.memref_slice %arg11[%dma_wait3A_127, %dma_wait3A_128] : memref<64x128xf32, #tpu.memory_space<vmem>> -> memref<48x128xf32, #tpu.memory_space<vmem>>
      tpu.wait_dma2 semaphore(%run_scoped3A : memref<!tpu.dma_semaphore, #tpu.memory_space<semaphore_mem>>) src(%dma_wait3A_129 : memref<48x128xf32, #tpu.memory_space<vmem>>) dst(%dma_wait3A_126 : memref<48x128xf32, #tpu.memory_space<vmem_shared>>)
      tpu.yield
    }) : () -> ()
    %add3A_25 = arith.constant 384 : i32
    %add3A_26 = arith.addi %multiple_of3A, %add3A_25 : i32
    "tpu.region"() ({
      %run_scoped3A = tpu.sem_alloc : memref<!tpu.dma_semaphore, #tpu.memory_space<semaphore_mem>>
      %dma_start3A_110 = arith.constant 0 : i32
      %dma_start3A_111 = arith.constant 0 : i32
      %dma_start3A_112 = tpu.memref_slice %arg11[%dma_start3A_110, %dma_start3A_111] : memref<64x128xf32, #tpu.memory_space<vmem>> -> memref<48x128xf32, #tpu.memory_space<vmem>>
      %dma_start3A_113 = arith.constant 0 : i32
      %dma_start3A_114 = tpu.memref_slice %arg25[%add3A_26, %dma_start3A_113] : memref<10000x128xf32, #tpu.memory_space<vmem_shared>> -> memref<48x128xf32, #tpu.memory_space<vmem_shared>>
      %dma_start3A_115 = arith.constant 0 : i32
      %dma_start3A_116 = tpu.memref_slice %arg25[%add3A_26, %dma_start3A_115] : memref<10000x128xf32, #tpu.memory_space<vmem_shared>> -> memref<48x128xf32, #tpu.memory_space<vmem_shared>>
      %dma_start3A_117 = arith.constant 0 : i32
      %dma_start3A_118 = arith.constant 0 : i32
      %dma_start3A_119 = tpu.memref_slice %arg11[%dma_start3A_117, %dma_start3A_118] : memref<64x128xf32, #tpu.memory_space<vmem>> -> memref<48x128xf32, #tpu.memory_space<vmem>>
      tpu.enqueue_dma source(%dma_start3A_119 : memref<48x128xf32, #tpu.memory_space<vmem>>) target(%dma_start3A_116 : memref<48x128xf32, #tpu.memory_space<vmem_shared>>) target_semaphore(%run_scoped3A : memref<!tpu.dma_semaphore, #tpu.memory_space<semaphore_mem>>)
      %dma_wait3A_120 = arith.constant 0 : i32
      %dma_wait3A_121 = arith.constant 0 : i32
      %dma_wait3A_122 = tpu.memref_slice %arg11[%dma_wait3A_120, %dma_wait3A_121] : memref<64x128xf32, #tpu.memory_space<vmem>> -> memref<48x128xf32, #tpu.memory_space<vmem>>
      %dma_wait3A_123 = arith.constant 0 : i32
      %dma_wait3A_124 = tpu.memref_slice %arg25[%add3A_26, %dma_wait3A_123] : memref<10000x128xf32, #tpu.memory_space<vmem_shared>> -> memref<48x128xf32, #tpu.memory_space<vmem_shared>>
      %dma_wait3A_125 = arith.constant 0 : i32
      %dma_wait3A_126 = tpu.memref_slice %arg25[%add3A_26, %dma_wait3A_125] : memref<10000x128xf32, #tpu.memory_space<vmem_shared>> -> memref<48x128xf32, #tpu.memory_space<vmem_shared>>
      %dma_wait3A_127 = arith.constant 0 : i32
      %dma_wait3A_128 = arith.constant 0 : i32
      %dma_wait3A_129 = tpu.memref_slice %arg11[%dma_wait3A_127, %dma_wait3A_128] : memref<64x128xf32, #tpu.memory_space<vmem>> -> memref<48x128xf32, #tpu.memory_space<vmem>>
      tpu.wait_dma2 semaphore(%run_scoped3A : memref<!tpu.dma_semaphore, #tpu.memory_space<semaphore_mem>>) src(%dma_wait3A_129 : memref<48x128xf32, #tpu.memory_space<vmem>>) dst(%dma_wait3A_126 : memref<48x128xf32, #tpu.memory_space<vmem_shared>>)
      tpu.yield
    }) : () -> ()
    %add3A_27 = arith.constant 432 : i32
    %add3A_28 = arith.addi %multiple_of3A, %add3A_27 : i32
    "tpu.region"() ({
      %run_scoped3A = tpu.sem_alloc : memref<!tpu.dma_semaphore, #tpu.memory_space<semaphore_mem>>
      %dma_start3A_110 = arith.constant 0 : i32
      %dma_start3A_111 = arith.constant 0 : i32
      %dma_start3A_112 = tpu.memref_slice %arg11[%dma_start3A_110, %dma_start3A_111] : memref<64x128xf32, #tpu.memory_space<vmem>> -> memref<48x128xf32, #tpu.memory_space<vmem>>
      %dma_start3A_113 = arith.constant 0 : i32
      %dma_start3A_114 = tpu.memref_slice %arg25[%add3A_28, %dma_start3A_113] : memref<10000x128xf32, #tpu.memory_space<vmem_shared>> -> memref<48x128xf32, #tpu.memory_space<vmem_shared>>
      %dma_start3A_115 = arith.constant 0 : i32
      %dma_start3A_116 = tpu.memref_slice %arg25[%add3A_28, %dma_start3A_115] : memref<10000x128xf32, #tpu.memory_space<vmem_shared>> -> memref<48x128xf32, #tpu.memory_space<vmem_shared>>
      %dma_start3A_117 = arith.constant 0 : i32
      %dma_start3A_118 = arith.constant 0 : i32
      %dma_start3A_119 = tpu.memref_slice %arg11[%dma_start3A_117, %dma_start3A_118] : memref<64x128xf32, #tpu.memory_space<vmem>> -> memref<48x128xf32, #tpu.memory_space<vmem>>
      tpu.enqueue_dma source(%dma_start3A_119 : memref<48x128xf32, #tpu.memory_space<vmem>>) target(%dma_start3A_116 : memref<48x128xf32, #tpu.memory_space<vmem_shared>>) target_semaphore(%run_scoped3A : memref<!tpu.dma_semaphore, #tpu.memory_space<semaphore_mem>>)
      %dma_wait3A_120 = arith.constant 0 : i32
      %dma_wait3A_121 = arith.constant 0 : i32
      %dma_wait3A_122 = tpu.memref_slice %arg11[%dma_wait3A_120, %dma_wait3A_121] : memref<64x128xf32, #tpu.memory_space<vmem>> -> memref<48x128xf32, #tpu.memory_space<vmem>>
      %dma_wait3A_123 = arith.constant 0 : i32
      %dma_wait3A_124 = tpu.memref_slice %arg25[%add3A_28, %dma_wait3A_123] : memref<10000x128xf32, #tpu.memory_space<vmem_shared>> -> memref<48x128xf32, #tpu.memory_space<vmem_shared>>
      %dma_wait3A_125 = arith.constant 0 : i32
      %dma_wait3A_126 = tpu.memref_slice %arg25[%add3A_28, %dma_wait3A_125] : memref<10000x128xf32, #tpu.memory_space<vmem_shared>> -> memref<48x128xf32, #tpu.memory_space<vmem_shared>>
      %dma_wait3A_127 = arith.constant 0 : i32
      %dma_wait3A_128 = arith.constant 0 : i32
      %dma_wait3A_129 = tpu.memref_slice %arg11[%dma_wait3A_127, %dma_wait3A_128] : memref<64x128xf32, #tpu.memory_space<vmem>> -> memref<48x128xf32, #tpu.memory_space<vmem>>
      tpu.wait_dma2 semaphore(%run_scoped3A : memref<!tpu.dma_semaphore, #tpu.memory_space<semaphore_mem>>) src(%dma_wait3A_129 : memref<48x128xf32, #tpu.memory_space<vmem>>) dst(%dma_wait3A_126 : memref<48x128xf32, #tpu.memory_space<vmem_shared>>)
      tpu.yield
    }) : () -> ()
    %add3A_29 = arith.constant 480 : i32
    %add3A_30 = arith.addi %multiple_of3A, %add3A_29 : i32
    "tpu.region"() ({
      %run_scoped3A = tpu.sem_alloc : memref<!tpu.dma_semaphore, #tpu.memory_space<semaphore_mem>>
      %dma_start3A_110 = arith.constant 0 : i32
      %dma_start3A_111 = arith.constant 0 : i32
      %dma_start3A_112 = tpu.memref_slice %arg11[%dma_start3A_110, %dma_start3A_111] : memref<64x128xf32, #tpu.memory_space<vmem>> -> memref<48x128xf32, #tpu.memory_space<vmem>>
      %dma_start3A_113 = arith.constant 0 : i32
      %dma_start3A_114 = tpu.memref_slice %arg25[%add3A_30, %dma_start3A_113] : memref<10000x128xf32, #tpu.memory_space<vmem_shared>> -> memref<48x128xf32, #tpu.memory_space<vmem_shared>>
      %dma_start3A_115 = arith.constant 0 : i32
      %dma_start3A_116 = tpu.memref_slice %arg25[%add3A_30, %dma_start3A_115] : memref<10000x128xf32, #tpu.memory_space<vmem_shared>> -> memref<48x128xf32, #tpu.memory_space<vmem_shared>>
      %dma_start3A_117 = arith.constant 0 : i32
      %dma_start3A_118 = arith.constant 0 : i32
      %dma_start3A_119 = tpu.memref_slice %arg11[%dma_start3A_117, %dma_start3A_118] : memref<64x128xf32, #tpu.memory_space<vmem>> -> memref<48x128xf32, #tpu.memory_space<vmem>>
      tpu.enqueue_dma source(%dma_start3A_119 : memref<48x128xf32, #tpu.memory_space<vmem>>) target(%dma_start3A_116 : memref<48x128xf32, #tpu.memory_space<vmem_shared>>) target_semaphore(%run_scoped3A : memref<!tpu.dma_semaphore, #tpu.memory_space<semaphore_mem>>)
      %dma_wait3A_120 = arith.constant 0 : i32
      %dma_wait3A_121 = arith.constant 0 : i32
      %dma_wait3A_122 = tpu.memref_slice %arg11[%dma_wait3A_120, %dma_wait3A_121] : memref<64x128xf32, #tpu.memory_space<vmem>> -> memref<48x128xf32, #tpu.memory_space<vmem>>
      %dma_wait3A_123 = arith.constant 0 : i32
      %dma_wait3A_124 = tpu.memref_slice %arg25[%add3A_30, %dma_wait3A_123] : memref<10000x128xf32, #tpu.memory_space<vmem_shared>> -> memref<48x128xf32, #tpu.memory_space<vmem_shared>>
      %dma_wait3A_125 = arith.constant 0 : i32
      %dma_wait3A_126 = tpu.memref_slice %arg25[%add3A_30, %dma_wait3A_125] : memref<10000x128xf32, #tpu.memory_space<vmem_shared>> -> memref<48x128xf32, #tpu.memory_space<vmem_shared>>
      %dma_wait3A_127 = arith.constant 0 : i32
      %dma_wait3A_128 = arith.constant 0 : i32
      %dma_wait3A_129 = tpu.memref_slice %arg11[%dma_wait3A_127, %dma_wait3A_128] : memref<64x128xf32, #tpu.memory_space<vmem>> -> memref<48x128xf32, #tpu.memory_space<vmem>>
      tpu.wait_dma2 semaphore(%run_scoped3A : memref<!tpu.dma_semaphore, #tpu.memory_space<semaphore_mem>>) src(%dma_wait3A_129 : memref<48x128xf32, #tpu.memory_space<vmem>>) dst(%dma_wait3A_126 : memref<48x128xf32, #tpu.memory_space<vmem_shared>>)
      tpu.yield
    }) : () -> ()
    %add3A_31 = arith.constant 528 : i32
    %add3A_32 = arith.addi %multiple_of3A, %add3A_31 : i32
    "tpu.region"() ({
      %run_scoped3A = tpu.sem_alloc : memref<!tpu.dma_semaphore, #tpu.memory_space<semaphore_mem>>
      %dma_start3A_110 = arith.constant 0 : i32
      %dma_start3A_111 = arith.constant 0 : i32
      %dma_start3A_112 = tpu.memref_slice %arg11[%dma_start3A_110, %dma_start3A_111] : memref<64x128xf32, #tpu.memory_space<vmem>> -> memref<48x128xf32, #tpu.memory_space<vmem>>
      %dma_start3A_113 = arith.constant 0 : i32
      %dma_start3A_114 = tpu.memref_slice %arg25[%add3A_32, %dma_start3A_113] : memref<10000x128xf32, #tpu.memory_space<vmem_shared>> -> memref<48x128xf32, #tpu.memory_space<vmem_shared>>
      %dma_start3A_115 = arith.constant 0 : i32
      %dma_start3A_116 = tpu.memref_slice %arg25[%add3A_32, %dma_start3A_115] : memref<10000x128xf32, #tpu.memory_space<vmem_shared>> -> memref<48x128xf32, #tpu.memory_space<vmem_shared>>
      %dma_start3A_117 = arith.constant 0 : i32
      %dma_start3A_118 = arith.constant 0 : i32
      %dma_start3A_119 = tpu.memref_slice %arg11[%dma_start3A_117, %dma_start3A_118] : memref<64x128xf32, #tpu.memory_space<vmem>> -> memref<48x128xf32, #tpu.memory_space<vmem>>
      tpu.enqueue_dma source(%dma_start3A_119 : memref<48x128xf32, #tpu.memory_space<vmem>>) target(%dma_start3A_116 : memref<48x128xf32, #tpu.memory_space<vmem_shared>>) target_semaphore(%run_scoped3A : memref<!tpu.dma_semaphore, #tpu.memory_space<semaphore_mem>>)
      %dma_wait3A_120 = arith.constant 0 : i32
      %dma_wait3A_121 = arith.constant 0 : i32
      %dma_wait3A_122 = tpu.memref_slice %arg11[%dma_wait3A_120, %dma_wait3A_121] : memref<64x128xf32, #tpu.memory_space<vmem>> -> memref<48x128xf32, #tpu.memory_space<vmem>>
      %dma_wait3A_123 = arith.constant 0 : i32
      %dma_wait3A_124 = tpu.memref_slice %arg25[%add3A_32, %dma_wait3A_123] : memref<10000x128xf32, #tpu.memory_space<vmem_shared>> -> memref<48x128xf32, #tpu.memory_space<vmem_shared>>
      %dma_wait3A_125 = arith.constant 0 : i32
      %dma_wait3A_126 = tpu.memref_slice %arg25[%add3A_32, %dma_wait3A_125] : memref<10000x128xf32, #tpu.memory_space<vmem_shared>> -> memref<48x128xf32, #tpu.memory_space<vmem_shared>>
      %dma_wait3A_127 = arith.constant 0 : i32
      %dma_wait3A_128 = arith.constant 0 : i32
      %dma_wait3A_129 = tpu.memref_slice %arg11[%dma_wait3A_127, %dma_wait3A_128] : memref<64x128xf32, #tpu.memory_space<vmem>> -> memref<48x128xf32, #tpu.memory_space<vmem>>
      tpu.wait_dma2 semaphore(%run_scoped3A : memref<!tpu.dma_semaphore, #tpu.memory_space<semaphore_mem>>) src(%dma_wait3A_129 : memref<48x128xf32, #tpu.memory_space<vmem>>) dst(%dma_wait3A_126 : memref<48x128xf32, #tpu.memory_space<vmem_shared>>)
      tpu.yield
    }) : () -> ()
    %add3A_33 = arith.constant 576 : i32
    %add3A_34 = arith.addi %multiple_of3A, %add3A_33 : i32
    "tpu.region"() ({
      %run_scoped3A = tpu.sem_alloc : memref<!tpu.dma_semaphore, #tpu.memory_space<semaphore_mem>>
      %dma_start3A_110 = arith.constant 0 : i32
      %dma_start3A_111 = arith.constant 0 : i32
      %dma_start3A_112 = tpu.memref_slice %arg11[%dma_start3A_110, %dma_start3A_111] : memref<64x128xf32, #tpu.memory_space<vmem>> -> memref<48x128xf32, #tpu.memory_space<vmem>>
      %dma_start3A_113 = arith.constant 0 : i32
      %dma_start3A_114 = tpu.memref_slice %arg25[%add3A_34, %dma_start3A_113] : memref<10000x128xf32, #tpu.memory_space<vmem_shared>> -> memref<48x128xf32, #tpu.memory_space<vmem_shared>>
      %dma_start3A_115 = arith.constant 0 : i32
      %dma_start3A_116 = tpu.memref_slice %arg25[%add3A_34, %dma_start3A_115] : memref<10000x128xf32, #tpu.memory_space<vmem_shared>> -> memref<48x128xf32, #tpu.memory_space<vmem_shared>>
      %dma_start3A_117 = arith.constant 0 : i32
      %dma_start3A_118 = arith.constant 0 : i32
      %dma_start3A_119 = tpu.memref_slice %arg11[%dma_start3A_117, %dma_start3A_118] : memref<64x128xf32, #tpu.memory_space<vmem>> -> memref<48x128xf32, #tpu.memory_space<vmem>>
      tpu.enqueue_dma source(%dma_start3A_119 : memref<48x128xf32, #tpu.memory_space<vmem>>) target(%dma_start3A_116 : memref<48x128xf32, #tpu.memory_space<vmem_shared>>) target_semaphore(%run_scoped3A : memref<!tpu.dma_semaphore, #tpu.memory_space<semaphore_mem>>)
      %dma_wait3A_120 = arith.constant 0 : i32
      %dma_wait3A_121 = arith.constant 0 : i32
      %dma_wait3A_122 = tpu.memref_slice %arg11[%dma_wait3A_120, %dma_wait3A_121] : memref<64x128xf32, #tpu.memory_space<vmem>> -> memref<48x128xf32, #tpu.memory_space<vmem>>
      %dma_wait3A_123 = arith.constant 0 : i32
      %dma_wait3A_124 = tpu.memref_slice %arg25[%add3A_34, %dma_wait3A_123] : memref<10000x128xf32, #tpu.memory_space<vmem_shared>> -> memref<48x128xf32, #tpu.memory_space<vmem_shared>>
      %dma_wait3A_125 = arith.constant 0 : i32
      %dma_wait3A_126 = tpu.memref_slice %arg25[%add3A_34, %dma_wait3A_125] : memref<10000x128xf32, #tpu.memory_space<vmem_shared>> -> memref<48x128xf32, #tpu.memory_space<vmem_shared>>
      %dma_wait3A_127 = arith.constant 0 : i32
      %dma_wait3A_128 = arith.constant 0 : i32
      %dma_wait3A_129 = tpu.memref_slice %arg11[%dma_wait3A_127, %dma_wait3A_128] : memref<64x128xf32, #tpu.memory_space<vmem>> -> memref<48x128xf32, #tpu.memory_space<vmem>>
      tpu.wait_dma2 semaphore(%run_scoped3A : memref<!tpu.dma_semaphore, #tpu.memory_space<semaphore_mem>>) src(%dma_wait3A_129 : memref<48x128xf32, #tpu.memory_space<vmem>>) dst(%dma_wait3A_126 : memref<48x128xf32, #tpu.memory_space<vmem_shared>>)
      tpu.yield
    }) : () -> ()
    %eq3A = arith.constant 15 : i32
    %eq3A_35 = arith.cmpi eq, %arg1, %eq3A : i32
    %convert_element_type3A = arith.extui %eq3A_35 : i1 to i32
    %cond3A = arith.constant 0 : i32
    %cond3A_36 = arith.cmpi ne, %convert_element_type3A, %cond3A : i32
    scf.if %cond3A_36 {
      "tpu.region"() ({
        %run_scoped3A = tpu.sem_alloc : memref<!tpu.dma_semaphore, #tpu.memory_space<semaphore_mem>>
        %dma_start3A_110 = arith.constant 0 : i32
        %dma_start3A_111 = arith.constant 0 : i32
        %dma_start3A_112 = tpu.memref_slice %arg11[%dma_start3A_110, %dma_start3A_111] : memref<64x128xf32, #tpu.memory_space<vmem>> -> memref<16x128xf32, #tpu.memory_space<vmem>>
        %dma_start3A_113 = arith.constant 9984 : i32
        %dma_start3A_114 = arith.constant 0 : i32
        %dma_start3A_115 = tpu.memref_slice %arg25[%dma_start3A_113, %dma_start3A_114] : memref<10000x128xf32, #tpu.memory_space<vmem_shared>> -> memref<16x128xf32, #tpu.memory_space<vmem_shared>>
        %dma_start3A_116 = arith.constant 9984 : i32
        %dma_start3A_117 = arith.constant 0 : i32
        %dma_start3A_118 = tpu.memref_slice %arg25[%dma_start3A_116, %dma_start3A_117] : memref<10000x128xf32, #tpu.memory_space<vmem_shared>> -> memref<16x128xf32, #tpu.memory_space<vmem_shared>>
        %dma_start3A_119 = arith.constant 0 : i32
        %dma_start3A_120 = arith.constant 0 : i32
        %dma_start3A_121 = tpu.memref_slice %arg11[%dma_start3A_119, %dma_start3A_120] : memref<64x128xf32, #tpu.memory_space<vmem>> -> memref<16x128xf32, #tpu.memory_space<vmem>>
        tpu.enqueue_dma source(%dma_start3A_121 : memref<16x128xf32, #tpu.memory_space<vmem>>) target(%dma_start3A_118 : memref<16x128xf32, #tpu.memory_space<vmem_shared>>) target_semaphore(%run_scoped3A : memref<!tpu.dma_semaphore, #tpu.memory_space<semaphore_mem>>)
        %dma_wait3A_122 = arith.constant 0 : i32
        %dma_wait3A_123 = arith.constant 0 : i32
        %dma_wait3A_124 = tpu.memref_slice %arg11[%dma_wait3A_122, %dma_wait3A_123] : memref<64x128xf32, #tpu.memory_space<vmem>> -> memref<16x128xf32, #tpu.memory_space<vmem>>
        %dma_wait3A_125 = arith.constant 9984 : i32
        %dma_wait3A_126 = arith.constant 0 : i32
        %dma_wait3A_127 = tpu.memref_slice %arg25[%dma_wait3A_125, %dma_wait3A_126] : memref<10000x128xf32, #tpu.memory_space<vmem_shared>> -> memref<16x128xf32, #tpu.memory_space<vmem_shared>>
        %dma_wait3A_128 = arith.constant 9984 : i32
        %dma_wait3A_129 = arith.constant 0 : i32
        %dma_wait3A_130 = tpu.memref_slice %arg25[%dma_wait3A_128, %dma_wait3A_129] : memref<10000x128xf32, #tpu.memory_space<vmem_shared>> -> memref<16x128xf32, #tpu.memory_space<vmem_shared>>
        %dma_wait3A_131 = arith.constant 0 : i32
        %dma_wait3A_132 = arith.constant 0 : i32
        %dma_wait3A_133 = tpu.memref_slice %arg11[%dma_wait3A_131, %dma_wait3A_132] : memref<64x128xf32, #tpu.memory_space<vmem>> -> memref<16x128xf32, #tpu.memory_space<vmem>>
        tpu.wait_dma2 semaphore(%run_scoped3A : memref<!tpu.dma_semaphore, #tpu.memory_space<semaphore_mem>>) src(%dma_wait3A_133 : memref<16x128xf32, #tpu.memory_space<vmem>>) dst(%dma_wait3A_130 : memref<16x128xf32, #tpu.memory_space<vmem_shared>>)
        tpu.yield
      }) : () -> ()
    } else {
    }
    %barrier3A = arith.constant 0 : index
    tpu.barrier barrier_id(%barrier3A)
    %mul3A_37 = arith.constant 10000 : i32
    %mul3A_38 = arith.muli %add3A, %mul3A_37 : i32
    %add3A_39 = arith.constant 0 : i32
    %add3A_40 = arith.addi %mul3A_38, %add3A_39 : i32
    %multiple_of3A_41 = tpu.assume_multiple %add3A_40, 16 : i32
    %dma_start3A = tpu.memref_slice %arg4[%multiple_of3A_41] : memref<320000xi32, #tpu.memory_space<hbm>> -> memref<64xi32, #tpu.memory_space<hbm>>
    %dma_start3A_42 = tpu.memref_slice %arg4[%multiple_of3A_41] : memref<320000xi32, #tpu.memory_space<hbm>> -> memref<64xi32, #tpu.memory_space<hbm>>
    tpu.enqueue_dma source(%dma_start3A_42 : memref<64xi32, #tpu.memory_space<hbm>>) target(%arg7 : memref<64xi32, #tpu.memory_space<vmem>>) target_semaphore(%arg19 : memref<!tpu.dma_semaphore, #tpu.memory_space<semaphore_mem>>)
    %dma_start3A_43 = tpu.memref_slice %arg5[%multiple_of3A_41] : memref<320000xi32, #tpu.memory_space<hbm>> -> memref<64xi32, #tpu.memory_space<hbm>>
    %dma_start3A_44 = tpu.memref_slice %arg5[%multiple_of3A_41] : memref<320000xi32, #tpu.memory_space<hbm>> -> memref<64xi32, #tpu.memory_space<hbm>>
    tpu.enqueue_dma source(%dma_start3A_44 : memref<64xi32, #tpu.memory_space<hbm>>) target(%arg9 : memref<64xi32, #tpu.memory_space<vmem>>) target_semaphore(%arg19 : memref<!tpu.dma_semaphore, #tpu.memory_space<semaphore_mem>>)
    %add3A_45 = arith.constant 64 : i32
    %add3A_46 = arith.addi %mul3A_38, %add3A_45 : i32
    %multiple_of3A_47 = tpu.assume_multiple %add3A_46, 16 : i32
    %dma_start3A_48 = tpu.memref_slice %arg4[%multiple_of3A_47] : memref<320000xi32, #tpu.memory_space<hbm>> -> memref<64xi32, #tpu.memory_space<hbm>>
    %dma_start3A_49 = tpu.memref_slice %arg4[%multiple_of3A_47] : memref<320000xi32, #tpu.memory_space<hbm>> -> memref<64xi32, #tpu.memory_space<hbm>>
    tpu.enqueue_dma source(%dma_start3A_49 : memref<64xi32, #tpu.memory_space<hbm>>) target(%arg8 : memref<64xi32, #tpu.memory_space<vmem>>) target_semaphore(%arg20 : memref<!tpu.dma_semaphore, #tpu.memory_space<semaphore_mem>>)
    %dma_start3A_50 = tpu.memref_slice %arg5[%multiple_of3A_47] : memref<320000xi32, #tpu.memory_space<hbm>> -> memref<64xi32, #tpu.memory_space<hbm>>
    %dma_start3A_51 = tpu.memref_slice %arg5[%multiple_of3A_47] : memref<320000xi32, #tpu.memory_space<hbm>> -> memref<64xi32, #tpu.memory_space<hbm>>
    tpu.enqueue_dma source(%dma_start3A_51 : memref<64xi32, #tpu.memory_space<hbm>>) target(%arg10 : memref<64xi32, #tpu.memory_space<vmem>>) target_semaphore(%arg20 : memref<!tpu.dma_semaphore, #tpu.memory_space<semaphore_mem>>)
    %dma_wait3A = arith.constant 0 : i32
    %dma_wait3A_52 = tpu.memref_slice %arg4[%dma_wait3A] : memref<320000xi32, #tpu.memory_space<hbm>> -> memref<64xi32, #tpu.memory_space<hbm>>
    %dma_wait3A_53 = arith.constant 0 : i32
    %dma_wait3A_54 = tpu.memref_slice %arg4[%dma_wait3A_53] : memref<320000xi32, #tpu.memory_space<hbm>> -> memref<64xi32, #tpu.memory_space<hbm>>
    tpu.wait_dma2 semaphore(%arg19 : memref<!tpu.dma_semaphore, #tpu.memory_space<semaphore_mem>>) src(%dma_wait3A_54 : memref<64xi32, #tpu.memory_space<hbm>>) dst(%arg7 : memref<64xi32, #tpu.memory_space<vmem>>)
    %dma_wait3A_55 = arith.constant 0 : i32
    %dma_wait3A_56 = tpu.memref_slice %arg5[%dma_wait3A_55] : memref<320000xi32, #tpu.memory_space<hbm>> -> memref<64xi32, #tpu.memory_space<hbm>>
    %dma_wait3A_57 = arith.constant 0 : i32
    %dma_wait3A_58 = tpu.memref_slice %arg5[%dma_wait3A_57] : memref<320000xi32, #tpu.memory_space<hbm>> -> memref<64xi32, #tpu.memory_space<hbm>>
    tpu.wait_dma2 semaphore(%arg19 : memref<!tpu.dma_semaphore, #tpu.memory_space<semaphore_mem>>) src(%dma_wait3A_58 : memref<64xi32, #tpu.memory_space<hbm>>) dst(%arg9 : memref<64xi32, #tpu.memory_space<vmem>>)
    %add3A_59 = arith.constant 0 : i32
    %add3A_60 = arith.addi %mul3A_38, %add3A_59 : i32
    %multiple_of3A_61 = tpu.assume_multiple %add3A_60, 16 : i32
    %dma_start3A_62 = arith.constant 0 : i32
    %dma_start3A_63 = arith.constant 0 : i32
    %dma_start3A_64 = tpu.memref_slice %arg2[%dma_start3A_62, %dma_start3A_63] : memref<10000x128xf32, #tpu.memory_space<hbm>> -> memref<10000x128xf32, #tpu.memory_space<hbm>>
    tpu.enqueue_indirect_dma source(%dma_start3A_64 : memref<10000x128xf32, #tpu.memory_space<hbm>>) target(%arg11 : memref<64x128xf32, #tpu.memory_space<vmem>>) offsets(%arg7 : memref<64xi32, #tpu.memory_space<vmem>>) semaphore(%arg21 : memref<!tpu.dma_semaphore, #tpu.memory_space<semaphore_mem>>)
    %dma_start3A_65 = arith.constant 0 : i32
    %dma_start3A_66 = tpu.memref_slice %arg3[%multiple_of3A_61, %dma_start3A_65] : memref<320000x128xf32, #tpu.memory_space<hbm>> -> memref<64x128xf32, #tpu.memory_space<hbm>>
    %dma_start3A_67 = arith.constant 0 : i32
    %dma_start3A_68 = tpu.memref_slice %arg3[%multiple_of3A_61, %dma_start3A_67] : memref<320000x128xf32, #tpu.memory_space<hbm>> -> memref<64x128xf32, #tpu.memory_space<hbm>>
    tpu.enqueue_dma source(%dma_start3A_68 : memref<64x128xf32, #tpu.memory_space<hbm>>) target(%arg13 : memref<64x128xf32, #tpu.memory_space<vmem>>) target_semaphore(%arg21 : memref<!tpu.dma_semaphore, #tpu.memory_space<semaphore_mem>>)
    %scan3A_69 = arith.constant 0 : i32
    %scan3A_70 = arith.constant 0 : i32
    %scan3A_71 = arith.constant 78 : i32
    %scan3A_72 = arith.addi %scan3A_70, %scan3A_71 : i32
    %scan3A_73 = arith.constant 1 : i32
    %scan3A_74 = scf.for %scan3A_110 = %scan3A_70 to %scan3A_72 step %scan3A_73 iter_args(%scan3A_111 = %scan3A_69) -> (i32)  : i32 {
      %mul3A_112 = arith.constant 2 : i32
      %mul3A_113 = arith.muli %scan3A_110, %mul3A_112 : i32
      %add3A_114 = arith.constant 0 : i32
      %add3A_115 = arith.addi %mul3A_113, %add3A_114 : i32
      %add3A_116 = arith.constant 1 : i32
      %add3A_117 = arith.addi %add3A_115, %add3A_116 : i32
      %lt3A = arith.constant 156 : i32
      %lt3A_118 = arith.cmpi slt, %add3A_117, %lt3A : i32
      %convert_element_type3A_119 = arith.extui %lt3A_118 : i1 to i32
      %cond3A_120 = arith.constant 0 : i32
      %cond3A_121 = arith.cmpi ne, %convert_element_type3A_119, %cond3A_120 : i32
      scf.if %cond3A_121 {
        %dma_wait3A_192 = arith.constant 0 : i32
        %dma_wait3A_193 = tpu.memref_slice %arg4[%dma_wait3A_192] : memref<320000xi32, #tpu.memory_space<hbm>> -> memref<64xi32, #tpu.memory_space<hbm>>
        %dma_wait3A_194 = arith.constant 0 : i32
        %dma_wait3A_195 = tpu.memref_slice %arg4[%dma_wait3A_194] : memref<320000xi32, #tpu.memory_space<hbm>> -> memref<64xi32, #tpu.memory_space<hbm>>
        tpu.wait_dma2 semaphore(%arg20 : memref<!tpu.dma_semaphore, #tpu.memory_space<semaphore_mem>>) src(%dma_wait3A_195 : memref<64xi32, #tpu.memory_space<hbm>>) dst(%arg8 : memref<64xi32, #tpu.memory_space<vmem>>)
        %dma_wait3A_196 = arith.constant 0 : i32
        %dma_wait3A_197 = tpu.memref_slice %arg5[%dma_wait3A_196] : memref<320000xi32, #tpu.memory_space<hbm>> -> memref<64xi32, #tpu.memory_space<hbm>>
        %dma_wait3A_198 = arith.constant 0 : i32
        %dma_wait3A_199 = tpu.memref_slice %arg5[%dma_wait3A_198] : memref<320000xi32, #tpu.memory_space<hbm>> -> memref<64xi32, #tpu.memory_space<hbm>>
        tpu.wait_dma2 semaphore(%arg20 : memref<!tpu.dma_semaphore, #tpu.memory_space<semaphore_mem>>) src(%dma_wait3A_199 : memref<64xi32, #tpu.memory_space<hbm>>) dst(%arg10 : memref<64xi32, #tpu.memory_space<vmem>>)
        %ge3A = arith.constant 1 : i32
        %ge3A_200 = arith.cmpi sge, %add3A_115, %ge3A : i32
        %convert_element_type3A_201 = arith.extui %ge3A_200 : i1 to i32
        %cond3A_202 = arith.constant 0 : i32
        %cond3A_203 = arith.cmpi ne, %convert_element_type3A_201, %cond3A_202 : i32
        scf.if %cond3A_203 {
          %dma_wait3A_217 = arith.constant 0 : i32
          %dma_wait3A_218 = arith.constant 0 : i32
          %dma_wait3A_219 = tpu.memref_slice %arg3[%dma_wait3A_217, %dma_wait3A_218] : memref<320000x128xf32, #tpu.memory_space<hbm>> -> memref<64x128xf32, #tpu.memory_space<hbm>>
          %dma_wait3A_220 = arith.constant 0 : i32
          %dma_wait3A_221 = arith.constant 0 : i32
          %dma_wait3A_222 = tpu.memref_slice %arg3[%dma_wait3A_220, %dma_wait3A_221] : memref<320000x128xf32, #tpu.memory_space<hbm>> -> memref<64x128xf32, #tpu.memory_space<hbm>>
          tpu.wait_dma2 semaphore(%arg24 : memref<!tpu.dma_semaphore, #tpu.memory_space<semaphore_mem>>) src(%dma_wait3A_222 : memref<64x128xf32, #tpu.memory_space<hbm>>) dst(%arg14 : memref<64x128xf32, #tpu.memory_space<vmem>>)
        } else {
        }
        %add3A_204 = arith.constant 1 : i32
        %add3A_205 = arith.addi %add3A_115, %add3A_204 : i32
        %mul3A_206 = arith.constant 64 : i32
        %mul3A_207 = arith.muli %add3A_205, %mul3A_206 : i32
        %add3A_208 = arith.addi %mul3A_38, %mul3A_207 : i32
        %multiple_of3A_209 = tpu.assume_multiple %add3A_208, 16 : i32
        %dma_start3A_210 = arith.constant 0 : i32
        %dma_start3A_211 = arith.constant 0 : i32
        %dma_start3A_212 = tpu.memref_slice %arg2[%dma_start3A_210, %dma_start3A_211] : memref<10000x128xf32, #tpu.memory_space<hbm>> -> memref<10000x128xf32, #tpu.memory_space<hbm>>
        tpu.enqueue_indirect_dma source(%dma_start3A_212 : memref<10000x128xf32, #tpu.memory_space<hbm>>) target(%arg12 : memref<64x128xf32, #tpu.memory_space<vmem>>) offsets(%arg8 : memref<64xi32, #tpu.memory_space<vmem>>) semaphore(%arg22 : memref<!tpu.dma_semaphore, #tpu.memory_space<semaphore_mem>>)
        %dma_start3A_213 = arith.constant 0 : i32
        %dma_start3A_214 = tpu.memref_slice %arg3[%multiple_of3A_209, %dma_start3A_213] : memref<320000x128xf32, #tpu.memory_space<hbm>> -> memref<64x128xf32, #tpu.memory_space<hbm>>
        %dma_start3A_215 = arith.constant 0 : i32
        %dma_start3A_216 = tpu.memref_slice %arg3[%multiple_of3A_209, %dma_start3A_215] : memref<320000x128xf32, #tpu.memory_space<hbm>> -> memref<64x128xf32, #tpu.memory_space<hbm>>
        tpu.enqueue_dma source(%dma_start3A_216 : memref<64x128xf32, #tpu.memory_space<hbm>>) target(%arg14 : memref<64x128xf32, #tpu.memory_space<vmem>>) target_semaphore(%arg22 : memref<!tpu.dma_semaphore, #tpu.memory_space<semaphore_mem>>)
      } else {
      }
      %dma_wait3A_122 = arith.constant 0 : i32
      %dma_wait3A_123 = arith.constant 0 : i32
      %dma_wait3A_124 = tpu.memref_slice %arg3[%dma_wait3A_122, %dma_wait3A_123] : memref<320000x128xf32, #tpu.memory_space<hbm>> -> memref<64x128xf32, #tpu.memory_space<hbm>>
      %dma_wait3A_125 = arith.constant 0 : i32
      %dma_wait3A_126 = arith.constant 0 : i32
      %dma_wait3A_127 = tpu.memref_slice %arg3[%dma_wait3A_125, %dma_wait3A_126] : memref<320000x128xf32, #tpu.memory_space<hbm>> -> memref<64x128xf32, #tpu.memory_space<hbm>>
      tpu.wait_dma2 semaphore(%arg21 : memref<!tpu.dma_semaphore, #tpu.memory_space<semaphore_mem>>) src(%dma_wait3A_127 : memref<64x128xf32, #tpu.memory_space<hbm>>) dst(%arg11 : memref<64x128xf32, #tpu.memory_space<vmem>>)
      %dma_wait3A_128 = arith.constant 0 : i32
      %dma_wait3A_129 = arith.constant 0 : i32
      %dma_wait3A_130 = tpu.memref_slice %arg3[%dma_wait3A_128, %dma_wait3A_129] : memref<320000x128xf32, #tpu.memory_space<hbm>> -> memref<64x128xf32, #tpu.memory_space<hbm>>
      %dma_wait3A_131 = arith.constant 0 : i32
      %dma_wait3A_132 = arith.constant 0 : i32
      %dma_wait3A_133 = tpu.memref_slice %arg3[%dma_wait3A_131, %dma_wait3A_132] : memref<320000x128xf32, #tpu.memory_space<hbm>> -> memref<64x128xf32, #tpu.memory_space<hbm>>
      tpu.wait_dma2 semaphore(%arg21 : memref<!tpu.dma_semaphore, #tpu.memory_space<semaphore_mem>>) src(%dma_wait3A_133 : memref<64x128xf32, #tpu.memory_space<hbm>>) dst(%arg13 : memref<64x128xf32, #tpu.memory_space<vmem>>)
      %scan3A_134 = arith.constant 0 : i32
      %scan3A_135 = arith.constant 0 : i32
      %scan3A_136 = arith.constant 64 : i32
      %scan3A_137 = arith.addi %scan3A_135, %scan3A_136 : i32
      %scan3A_138 = arith.constant 1 : i32
      %scan3A_139 = scf.for %scan3A_192 = %scan3A_135 to %scan3A_137 step %scan3A_138 iter_args(%scan3A_193 = %scan3A_134) -> (i32)  : i32 {
        %get3A = arith.index_cast %scan3A_192 : i32 to index
        %get3A_194 = arith.constant 0 : index
        %get3A_195 = tpu.vector_load %arg11[%get3A, %get3A_194] {strides = array<i32>} : memref<64x128xf32, #tpu.memory_space<vmem>>, vector<1x16xf32>,
        %get3A_196 = vector.shape_cast %get3A_195 : vector<1x16xf32> to vector<16xf32>
        %get3A_197 = arith.index_cast %scan3A_192 : i32 to index
        %get3A_198 = arith.constant 0 : index
        %get3A_199 = tpu.vector_load %arg13[%get3A_197, %get3A_198] {strides = array<i32>} : memref<64x128xf32, #tpu.memory_space<vmem>>, vector<1x16xf32>,
        %get3A_200 = vector.shape_cast %get3A_199 : vector<1x16xf32> to vector<16xf32>
        %add3A_201 = arith.addf %get3A_196, %get3A_200 : vector<16xf32>
        %max3A = arith.constant 0.000000e+00 : f32
        %max3A_202 = vector.broadcast %max3A : f32 to vector<16xf32>
        %max3A_203 = arith.maximumf %add3A_201, %max3A_202 : vector<16xf32>
        %swap3A = arith.index_cast %scan3A_192 : i32 to index
        %swap3A_204 = arith.constant 0 : index
        %swap3A_205 = tpu.vector_load %arg13[%swap3A, %swap3A_204] {strides = array<i32>} : memref<64x128xf32, #tpu.memory_space<vmem>>, vector<1x16xf32>,
        %swap3A_206 = vector.shape_cast %swap3A_205 : vector<1x16xf32> to vector<16xf32>
        %swap3A_207 = vector.shape_cast %max3A_203 : vector<16xf32> to vector<1x16xf32>
        tpu.vector_store %arg13[%swap3A, %swap3A_204], %swap3A_207 {strides = array<i32>} : memref<64x128xf32, #tpu.memory_space<vmem>>, vector<1x16xf32>,
        %get3A_208 = arith.index_cast %scan3A_192 : i32 to index
        %get3A_209 = arith.constant 16 : index
        %get3A_210 = tpu.vector_load %arg11[%get3A_208, %get3A_209] {strides = array<i32>} : memref<64x128xf32, #tpu.memory_space<vmem>>, vector<1x16xf32>,
        %get3A_211 = vector.shape_cast %get3A_210 : vector<1x16xf32> to vector<16xf32>
        %get3A_212 = arith.index_cast %scan3A_192 : i32 to index
        %get3A_213 = arith.constant 16 : index
        %get3A_214 = tpu.vector_load %arg13[%get3A_212, %get3A_213] {strides = array<i32>} : memref<64x128xf32, #tpu.memory_space<vmem>>, vector<1x16xf32>,
        %get3A_215 = vector.shape_cast %get3A_214 : vector<1x16xf32> to vector<16xf32>
        %add3A_216 = arith.addf %get3A_211, %get3A_215 : vector<16xf32>
        %max3A_217 = arith.constant 0.000000e+00 : f32
        %max3A_218 = vector.broadcast %max3A_217 : f32 to vector<16xf32>
        %max3A_219 = arith.maximumf %add3A_216, %max3A_218 : vector<16xf32>
        %swap3A_220 = arith.index_cast %scan3A_192 : i32 to index
        %swap3A_221 = arith.constant 16 : index
        %swap3A_222 = tpu.vector_load %arg13[%swap3A_220, %swap3A_221] {strides = array<i32>} : memref<64x128xf32, #tpu.memory_space<vmem>>, vector<1x16xf32>,
        %swap3A_223 = vector.shape_cast %swap3A_222 : vector<1x16xf32> to vector<16xf32>
        %swap3A_224 = vector.shape_cast %max3A_219 : vector<16xf32> to vector<1x16xf32>
        tpu.vector_store %arg13[%swap3A_220, %swap3A_221], %swap3A_224 {strides = array<i32>} : memref<64x128xf32, #tpu.memory_space<vmem>>, vector<1x16xf32>,
        %get3A_225 = arith.index_cast %scan3A_192 : i32 to index
        %get3A_226 = arith.constant 32 : index
        %get3A_227 = tpu.vector_load %arg11[%get3A_225, %get3A_226] {strides = array<i32>} : memref<64x128xf32, #tpu.memory_space<vmem>>, vector<1x16xf32>,
        %get3A_228 = vector.shape_cast %get3A_227 : vector<1x16xf32> to vector<16xf32>
        %get3A_229 = arith.index_cast %scan3A_192 : i32 to index
        %get3A_230 = arith.constant 32 : index
        %get3A_231 = tpu.vector_load %arg13[%get3A_229, %get3A_230] {strides = array<i32>} : memref<64x128xf32, #tpu.memory_space<vmem>>, vector<1x16xf32>,
        %get3A_232 = vector.shape_cast %get3A_231 : vector<1x16xf32> to vector<16xf32>
        %add3A_233 = arith.addf %get3A_228, %get3A_232 : vector<16xf32>
        %max3A_234 = arith.constant 0.000000e+00 : f32
        %max3A_235 = vector.broadcast %max3A_234 : f32 to vector<16xf32>
        %max3A_236 = arith.maximumf %add3A_233, %max3A_235 : vector<16xf32>
        %swap3A_237 = arith.index_cast %scan3A_192 : i32 to index
        %swap3A_238 = arith.constant 32 : index
        %swap3A_239 = tpu.vector_load %arg13[%swap3A_237, %swap3A_238] {strides = array<i32>} : memref<64x128xf32, #tpu.memory_space<vmem>>, vector<1x16xf32>,
        %swap3A_240 = vector.shape_cast %swap3A_239 : vector<1x16xf32> to vector<16xf32>
        %swap3A_241 = vector.shape_cast %max3A_236 : vector<16xf32> to vector<1x16xf32>
        tpu.vector_store %arg13[%swap3A_237, %swap3A_238], %swap3A_241 {strides = array<i32>} : memref<64x128xf32, #tpu.memory_space<vmem>>, vector<1x16xf32>,
        %get3A_242 = arith.index_cast %scan3A_192 : i32 to index
        %get3A_243 = arith.constant 48 : index
        %get3A_244 = tpu.vector_load %arg11[%get3A_242, %get3A_243] {strides = array<i32>} : memref<64x128xf32, #tpu.memory_space<vmem>>, vector<1x16xf32>,
        %get3A_245 = vector.shape_cast %get3A_244 : vector<1x16xf32> to vector<16xf32>
        %get3A_246 = arith.index_cast %scan3A_192 : i32 to index
        %get3A_247 = arith.constant 48 : index
        %get3A_248 = tpu.vector_load %arg13[%get3A_246, %get3A_247] {strides = array<i32>} : memref<64x128xf32, #tpu.memory_space<vmem>>, vector<1x16xf32>,
        %get3A_249 = vector.shape_cast %get3A_248 : vector<1x16xf32> to vector<16xf32>
        %add3A_250 = arith.addf %get3A_245, %get3A_249 : vector<16xf32>
        %max3A_251 = arith.constant 0.000000e+00 : f32
        %max3A_252 = vector.broadcast %max3A_251 : f32 to vector<16xf32>
        %max3A_253 = arith.maximumf %add3A_250, %max3A_252 : vector<16xf32>
        %swap3A_254 = arith.index_cast %scan3A_192 : i32 to index
        %swap3A_255 = arith.constant 48 : index
        %swap3A_256 = tpu.vector_load %arg13[%swap3A_254, %swap3A_255] {strides = array<i32>} : memref<64x128xf32, #tpu.memory_space<vmem>>, vector<1x16xf32>,
        %swap3A_257 = vector.shape_cast %swap3A_256 : vector<1x16xf32> to vector<16xf32>
        %swap3A_258 = vector.shape_cast %max3A_253 : vector<16xf32> to vector<1x16xf32>
        tpu.vector_store %arg13[%swap3A_254, %swap3A_255], %swap3A_258 {strides = array<i32>} : memref<64x128xf32, #tpu.memory_space<vmem>>, vector<1x16xf32>,
        %get3A_259 = arith.index_cast %scan3A_192 : i32 to index
        %get3A_260 = arith.constant 64 : index
        %get3A_261 = tpu.vector_load %arg11[%get3A_259, %get3A_260] {strides = array<i32>} : memref<64x128xf32, #tpu.memory_space<vmem>>, vector<1x16xf32>,
        %get3A_262 = vector.shape_cast %get3A_261 : vector<1x16xf32> to vector<16xf32>
        %get3A_263 = arith.index_cast %scan3A_192 : i32 to index
        %get3A_264 = arith.constant 64 : index
        %get3A_265 = tpu.vector_load %arg13[%get3A_263, %get3A_264] {strides = array<i32>} : memref<64x128xf32, #tpu.memory_space<vmem>>, vector<1x16xf32>,
        %get3A_266 = vector.shape_cast %get3A_265 : vector<1x16xf32> to vector<16xf32>
        %add3A_267 = arith.addf %get3A_262, %get3A_266 : vector<16xf32>
        %max3A_268 = arith.constant 0.000000e+00 : f32
        %max3A_269 = vector.broadcast %max3A_268 : f32 to vector<16xf32>
        %max3A_270 = arith.maximumf %add3A_267, %max3A_269 : vector<16xf32>
        %swap3A_271 = arith.index_cast %scan3A_192 : i32 to index
        %swap3A_272 = arith.constant 64 : index
        %swap3A_273 = tpu.vector_load %arg13[%swap3A_271, %swap3A_272] {strides = array<i32>} : memref<64x128xf32, #tpu.memory_space<vmem>>, vector<1x16xf32>,
        %swap3A_274 = vector.shape_cast %swap3A_273 : vector<1x16xf32> to vector<16xf32>
        %swap3A_275 = vector.shape_cast %max3A_270 : vector<16xf32> to vector<1x16xf32>
        tpu.vector_store %arg13[%swap3A_271, %swap3A_272], %swap3A_275 {strides = array<i32>} : memref<64x128xf32, #tpu.memory_space<vmem>>, vector<1x16xf32>,
        %get3A_276 = arith.index_cast %scan3A_192 : i32 to index
        %get3A_277 = arith.constant 80 : index
        %get3A_278 = tpu.vector_load %arg11[%get3A_276, %get3A_277] {strides = array<i32>} : memref<64x128xf32, #tpu.memory_space<vmem>>, vector<1x16xf32>,
        %get3A_279 = vector.shape_cast %get3A_278 : vector<1x16xf32> to vector<16xf32>
        %get3A_280 = arith.index_cast %scan3A_192 : i32 to index
        %get3A_281 = arith.constant 80 : index
        %get3A_282 = tpu.vector_load %arg13[%get3A_280, %get3A_281] {strides = array<i32>} : memref<64x128xf32, #tpu.memory_space<vmem>>, vector<1x16xf32>,
        %get3A_283 = vector.shape_cast %get3A_282 : vector<1x16xf32> to vector<16xf32>
        %add3A_284 = arith.addf %get3A_279, %get3A_283 : vector<16xf32>
        %max3A_285 = arith.constant 0.000000e+00 : f32
        %max3A_286 = vector.broadcast %max3A_285 : f32 to vector<16xf32>
        %max3A_287 = arith.maximumf %add3A_284, %max3A_286 : vector<16xf32>
        %swap3A_288 = arith.index_cast %scan3A_192 : i32 to index
        %swap3A_289 = arith.constant 80 : index
        %swap3A_290 = tpu.vector_load %arg13[%swap3A_288, %swap3A_289] {strides = array<i32>} : memref<64x128xf32, #tpu.memory_space<vmem>>, vector<1x16xf32>,
        %swap3A_291 = vector.shape_cast %swap3A_290 : vector<1x16xf32> to vector<16xf32>
        %swap3A_292 = vector.shape_cast %max3A_287 : vector<16xf32> to vector<1x16xf32>
        tpu.vector_store %arg13[%swap3A_288, %swap3A_289], %swap3A_292 {strides = array<i32>} : memref<64x128xf32, #tpu.memory_space<vmem>>, vector<1x16xf32>,
        %get3A_293 = arith.index_cast %scan3A_192 : i32 to index
        %get3A_294 = arith.constant 96 : index
        %get3A_295 = tpu.vector_load %arg11[%get3A_293, %get3A_294] {strides = array<i32>} : memref<64x128xf32, #tpu.memory_space<vmem>>, vector<1x16xf32>,
        %get3A_296 = vector.shape_cast %get3A_295 : vector<1x16xf32> to vector<16xf32>
        %get3A_297 = arith.index_cast %scan3A_192 : i32 to index
        %get3A_298 = arith.constant 96 : index
        %get3A_299 = tpu.vector_load %arg13[%get3A_297, %get3A_298] {strides = array<i32>} : memref<64x128xf32, #tpu.memory_space<vmem>>, vector<1x16xf32>,
        %get3A_300 = vector.shape_cast %get3A_299 : vector<1x16xf32> to vector<16xf32>
        %add3A_301 = arith.addf %get3A_296, %get3A_300 : vector<16xf32>
        %max3A_302 = arith.constant 0.000000e+00 : f32
        %max3A_303 = vector.broadcast %max3A_302 : f32 to vector<16xf32>
        %max3A_304 = arith.maximumf %add3A_301, %max3A_303 : vector<16xf32>
        %swap3A_305 = arith.index_cast %scan3A_192 : i32 to index
        %swap3A_306 = arith.constant 96 : index
        %swap3A_307 = tpu.vector_load %arg13[%swap3A_305, %swap3A_306] {strides = array<i32>} : memref<64x128xf32, #tpu.memory_space<vmem>>, vector<1x16xf32>,
        %swap3A_308 = vector.shape_cast %swap3A_307 : vector<1x16xf32> to vector<16xf32>
        %swap3A_309 = vector.shape_cast %max3A_304 : vector<16xf32> to vector<1x16xf32>
        tpu.vector_store %arg13[%swap3A_305, %swap3A_306], %swap3A_309 {strides = array<i32>} : memref<64x128xf32, #tpu.memory_space<vmem>>, vector<1x16xf32>,
        %get3A_310 = arith.index_cast %scan3A_192 : i32 to index
        %get3A_311 = arith.constant 112 : index
        %get3A_312 = tpu.vector_load %arg11[%get3A_310, %get3A_311] {strides = array<i32>} : memref<64x128xf32, #tpu.memory_space<vmem>>, vector<1x16xf32>,
        %get3A_313 = vector.shape_cast %get3A_312 : vector<1x16xf32> to vector<16xf32>
        %get3A_314 = arith.index_cast %scan3A_192 : i32 to index
        %get3A_315 = arith.constant 112 : index
        %get3A_316 = tpu.vector_load %arg13[%get3A_314, %get3A_315] {strides = array<i32>} : memref<64x128xf32, #tpu.memory_space<vmem>>, vector<1x16xf32>,
        %get3A_317 = vector.shape_cast %get3A_316 : vector<1x16xf32> to vector<16xf32>
        %add3A_318 = arith.addf %get3A_313, %get3A_317 : vector<16xf32>
        %max3A_319 = arith.constant 0.000000e+00 : f32
        %max3A_320 = vector.broadcast %max3A_319 : f32 to vector<16xf32>
        %max3A_321 = arith.maximumf %add3A_318, %max3A_320 : vector<16xf32>
        %swap3A_322 = arith.index_cast %scan3A_192 : i32 to index
        %swap3A_323 = arith.constant 112 : index
        %swap3A_324 = tpu.vector_load %arg13[%swap3A_322, %swap3A_323] {strides = array<i32>} : memref<64x128xf32, #tpu.memory_space<vmem>>, vector<1x16xf32>,
        %swap3A_325 = vector.shape_cast %swap3A_324 : vector<1x16xf32> to vector<16xf32>
        %swap3A_326 = vector.shape_cast %max3A_321 : vector<16xf32> to vector<1x16xf32>
        tpu.vector_store %arg13[%swap3A_322, %swap3A_323], %swap3A_326 {strides = array<i32>} : memref<64x128xf32, #tpu.memory_space<vmem>>, vector<1x16xf32>,
        %scan3A_327 = arith.constant 0 : i32
        scf.yield %scan3A_327 : i32
      }
      %scan3A_140 = arith.constant 64 : i32
      %dma_start3A_141 = arith.constant 0 : i32
      %dma_start3A_142 = arith.constant 0 : i32
      %dma_start3A_143 = tpu.memref_slice %arg25[%dma_start3A_141, %dma_start3A_142] : memref<10000x128xf32, #tpu.memory_space<vmem_shared>> -> memref<10000x128xf32, #tpu.memory_space<vmem_shared>>
      tpu.enqueue_indirect_dma source(%arg13 : memref<64x128xf32, #tpu.memory_space<vmem>>) target(%dma_start3A_143 : memref<10000x128xf32, #tpu.memory_space<vmem_shared>>) offsets(%arg9 : memref<64xi32, #tpu.memory_space<vmem>>) semaphore(%arg23 : memref<!tpu.dma_semaphore, #tpu.memory_space<semaphore_mem>>) {add = true}
      %add3A_144 = arith.constant 2 : i32
      %add3A_145 = arith.addi %add3A_115, %add3A_144 : i32
      %lt3A_146 = arith.constant 156 : i32
      %lt3A_147 = arith.cmpi slt, %add3A_145, %lt3A_146 : i32
      %convert_element_type3A_148 = arith.extui %lt3A_147 : i1 to i32
      %cond3A_149 = arith.constant 0 : i32
      %cond3A_150 = arith.cmpi ne, %convert_element_type3A_148, %cond3A_149 : i32
      scf.if %cond3A_150 {
        %add3A_192 = arith.constant 2 : i32
        %add3A_193 = arith.addi %add3A_115, %add3A_192 : i32
        %mul3A_194 = arith.constant 64 : i32
        %mul3A_195 = arith.muli %add3A_193, %mul3A_194 : i32
        %add3A_196 = arith.addi %mul3A_38, %mul3A_195 : i32
        %multiple_of3A_197 = tpu.assume_multiple %add3A_196, 16 : i32
        %dma_start3A_198 = tpu.memref_slice %arg4[%multiple_of3A_197] : memref<320000xi32, #tpu.memory_space<hbm>> -> memref<64xi32, #tpu.memory_space<hbm>>
        %dma_start3A_199 = tpu.memref_slice %arg4[%multiple_of3A_197] : memref<320000xi32, #tpu.memory_space<hbm>> -> memref<64xi32, #tpu.memory_space<hbm>>
        tpu.enqueue_dma source(%dma_start3A_199 : memref<64xi32, #tpu.memory_space<hbm>>) target(%arg7 : memref<64xi32, #tpu.memory_space<vmem>>) target_semaphore(%arg19 : memref<!tpu.dma_semaphore, #tpu.memory_space<semaphore_mem>>)
        %dma_start3A_200 = tpu.memref_slice %arg5[%multiple_of3A_197] : memref<320000xi32, #tpu.memory_space<hbm>> -> memref<64xi32, #tpu.memory_space<hbm>>
        %dma_start3A_201 = tpu.memref_slice %arg5[%multiple_of3A_197] : memref<320000xi32, #tpu.memory_space<hbm>> -> memref<64xi32, #tpu.memory_space<hbm>>
        tpu.enqueue_dma source(%dma_start3A_201 : memref<64xi32, #tpu.memory_space<hbm>>) target(%arg9 : memref<64xi32, #tpu.memory_space<vmem>>) target_semaphore(%arg19 : memref<!tpu.dma_semaphore, #tpu.memory_space<semaphore_mem>>)
      } else {
      }
      %mul3A_151 = arith.constant 2 : i32
      %mul3A_152 = arith.muli %scan3A_110, %mul3A_151 : i32
      %add3A_153 = arith.constant 1 : i32
      %add3A_154 = arith.addi %mul3A_152, %add3A_153 : i32
      %add3A_155 = arith.constant 1 : i32
      %add3A_156 = arith.addi %add3A_154, %add3A_155 : i32
      %lt3A_157 = arith.constant 156 : i32
      %lt3A_158 = arith.cmpi slt, %add3A_156, %lt3A_157 : i32
      %convert_element_type3A_159 = arith.extui %lt3A_158 : i1 to i32
      %cond3A_160 = arith.constant 0 : i32
      %cond3A_161 = arith.cmpi ne, %convert_element_type3A_159, %cond3A_160 : i32
      scf.if %cond3A_161 {
        %dma_wait3A_192 = arith.constant 0 : i32
        %dma_wait3A_193 = tpu.memref_slice %arg4[%dma_wait3A_192] : memref<320000xi32, #tpu.memory_space<hbm>> -> memref<64xi32, #tpu.memory_space<hbm>>
        %dma_wait3A_194 = arith.constant 0 : i32
        %dma_wait3A_195 = tpu.memref_slice %arg4[%dma_wait3A_194] : memref<320000xi32, #tpu.memory_space<hbm>> -> memref<64xi32, #tpu.memory_space<hbm>>
        tpu.wait_dma2 semaphore(%arg19 : memref<!tpu.dma_semaphore, #tpu.memory_space<semaphore_mem>>) src(%dma_wait3A_195 : memref<64xi32, #tpu.memory_space<hbm>>) dst(%arg7 : memref<64xi32, #tpu.memory_space<vmem>>)
        %dma_wait3A_196 = arith.constant 0 : i32
        %dma_wait3A_197 = tpu.memref_slice %arg5[%dma_wait3A_196] : memref<320000xi32, #tpu.memory_space<hbm>> -> memref<64xi32, #tpu.memory_space<hbm>>
        %dma_wait3A_198 = arith.constant 0 : i32
        %dma_wait3A_199 = tpu.memref_slice %arg5[%dma_wait3A_198] : memref<320000xi32, #tpu.memory_space<hbm>> -> memref<64xi32, #tpu.memory_space<hbm>>
        tpu.wait_dma2 semaphore(%arg19 : memref<!tpu.dma_semaphore, #tpu.memory_space<semaphore_mem>>) src(%dma_wait3A_199 : memref<64xi32, #tpu.memory_space<hbm>>) dst(%arg9 : memref<64xi32, #tpu.memory_space<vmem>>)
        %ge3A = arith.constant 1 : i32
        %ge3A_200 = arith.cmpi sge, %add3A_154, %ge3A : i32
        %convert_element_type3A_201 = arith.extui %ge3A_200 : i1 to i32
        %cond3A_202 = arith.constant 0 : i32
        %cond3A_203 = arith.cmpi ne, %convert_element_type3A_201, %cond3A_202 : i32
        scf.if %cond3A_203 {
          %dma_wait3A_217 = arith.constant 0 : i32
          %dma_wait3A_218 = arith.constant 0 : i32
          %dma_wait3A_219 = tpu.memref_slice %arg3[%dma_wait3A_217, %dma_wait3A_218] : memref<320000x128xf32, #tpu.memory_space<hbm>> -> memref<64x128xf32, #tpu.memory_space<hbm>>
          %dma_wait3A_220 = arith.constant 0 : i32
          %dma_wait3A_221 = arith.constant 0 : i32
          %dma_wait3A_222 = tpu.memref_slice %arg3[%dma_wait3A_220, %dma_wait3A_221] : memref<320000x128xf32, #tpu.memory_space<hbm>> -> memref<64x128xf32, #tpu.memory_space<hbm>>
          tpu.wait_dma2 semaphore(%arg23 : memref<!tpu.dma_semaphore, #tpu.memory_space<semaphore_mem>>) src(%dma_wait3A_222 : memref<64x128xf32, #tpu.memory_space<hbm>>) dst(%arg13 : memref<64x128xf32, #tpu.memory_space<vmem>>)
        } else {
        }
        %add3A_204 = arith.constant 1 : i32
        %add3A_205 = arith.addi %add3A_154, %add3A_204 : i32
        %mul3A_206 = arith.constant 64 : i32
        %mul3A_207 = arith.muli %add3A_205, %mul3A_206 : i32
        %add3A_208 = arith.addi %mul3A_38, %mul3A_207 : i32
        %multiple_of3A_209 = tpu.assume_multiple %add3A_208, 16 : i32
        %dma_start3A_210 = arith.constant 0 : i32
        %dma_start3A_211 = arith.constant 0 : i32
        %dma_start3A_212 = tpu.memref_slice %arg2[%dma_start3A_210, %dma_start3A_211] : memref<10000x128xf32, #tpu.memory_space<hbm>> -> memref<10000x128xf32, #tpu.memory_space<hbm>>
        tpu.enqueue_indirect_dma source(%dma_start3A_212 : memref<10000x128xf32, #tpu.memory_space<hbm>>) target(%arg11 : memref<64x128xf32, #tpu.memory_space<vmem>>) offsets(%arg7 : memref<64xi32, #tpu.memory_space<vmem>>) semaphore(%arg21 : memref<!tpu.dma_semaphore, #tpu.memory_space<semaphore_mem>>)
        %dma_start3A_213 = arith.constant 0 : i32
        %dma_start3A_214 = tpu.memref_slice %arg3[%multiple_of3A_209, %dma_start3A_213] : memref<320000x128xf32, #tpu.memory_space<hbm>> -> memref<64x128xf32, #tpu.memory_space<hbm>>
        %dma_start3A_215 = arith.constant 0 : i32
        %dma_start3A_216 = tpu.memref_slice %arg3[%multiple_of3A_209, %dma_start3A_215] : memref<320000x128xf32, #tpu.memory_space<hbm>> -> memref<64x128xf32, #tpu.memory_space<hbm>>
        tpu.enqueue_dma source(%dma_start3A_216 : memref<64x128xf32, #tpu.memory_space<hbm>>) target(%arg13 : memref<64x128xf32, #tpu.memory_space<vmem>>) target_semaphore(%arg21 : memref<!tpu.dma_semaphore, #tpu.memory_space<semaphore_mem>>)
      } else {
      }
      %dma_wait3A_162 = arith.constant 0 : i32
      %dma_wait3A_163 = arith.constant 0 : i32
      %dma_wait3A_164 = tpu.memref_slice %arg3[%dma_wait3A_162, %dma_wait3A_163] : memref<320000x128xf32, #tpu.memory_space<hbm>> -> memref<64x128xf32, #tpu.memory_space<hbm>>
      %dma_wait3A_165 = arith.constant 0 : i32
      %dma_wait3A_166 = arith.constant 0 : i32
      %dma_wait3A_167 = tpu.memref_slice %arg3[%dma_wait3A_165, %dma_wait3A_166] : memref<320000x128xf32, #tpu.memory_space<hbm>> -> memref<64x128xf32, #tpu.memory_space<hbm>>
      tpu.wait_dma2 semaphore(%arg22 : memref<!tpu.dma_semaphore, #tpu.memory_space<semaphore_mem>>) src(%dma_wait3A_167 : memref<64x128xf32, #tpu.memory_space<hbm>>) dst(%arg12 : memref<64x128xf32, #tpu.memory_space<vmem>>)
      %dma_wait3A_168 = arith.constant 0 : i32
      %dma_wait3A_169 = arith.constant 0 : i32
      %dma_wait3A_170 = tpu.memref_slice %arg3[%dma_wait3A_168, %dma_wait3A_169] : memref<320000x128xf32, #tpu.memory_space<hbm>> -> memref<64x128xf32, #tpu.memory_space<hbm>>
      %dma_wait3A_171 = arith.constant 0 : i32
      %dma_wait3A_172 = arith.constant 0 : i32
      %dma_wait3A_173 = tpu.memref_slice %arg3[%dma_wait3A_171, %dma_wait3A_172] : memref<320000x128xf32, #tpu.memory_space<hbm>> -> memref<64x128xf32, #tpu.memory_space<hbm>>
      tpu.wait_dma2 semaphore(%arg22 : memref<!tpu.dma_semaphore, #tpu.memory_space<semaphore_mem>>) src(%dma_wait3A_173 : memref<64x128xf32, #tpu.memory_space<hbm>>) dst(%arg14 : memref<64x128xf32, #tpu.memory_space<vmem>>)
      %scan3A_174 = arith.constant 0 : i32
      %scan3A_175 = arith.constant 0 : i32
      %scan3A_176 = arith.constant 64 : i32
      %scan3A_177 = arith.addi %scan3A_175, %scan3A_176 : i32
      %scan3A_178 = arith.constant 1 : i32
      %scan3A_179 = scf.for %scan3A_192 = %scan3A_175 to %scan3A_177 step %scan3A_178 iter_args(%scan3A_193 = %scan3A_174) -> (i32)  : i32 {
        %get3A = arith.index_cast %scan3A_192 : i32 to index
        %get3A_194 = arith.constant 0 : index
        %get3A_195 = tpu.vector_load %arg12[%get3A, %get3A_194] {strides = array<i32>} : memref<64x128xf32, #tpu.memory_space<vmem>>, vector<1x16xf32>,
        %get3A_196 = vector.shape_cast %get3A_195 : vector<1x16xf32> to vector<16xf32>
        %get3A_197 = arith.index_cast %scan3A_192 : i32 to index
        %get3A_198 = arith.constant 0 : index
        %get3A_199 = tpu.vector_load %arg14[%get3A_197, %get3A_198] {strides = array<i32>} : memref<64x128xf32, #tpu.memory_space<vmem>>, vector<1x16xf32>,
        %get3A_200 = vector.shape_cast %get3A_199 : vector<1x16xf32> to vector<16xf32>
        %add3A_201 = arith.addf %get3A_196, %get3A_200 : vector<16xf32>
        %max3A = arith.constant 0.000000e+00 : f32
        %max3A_202 = vector.broadcast %max3A : f32 to vector<16xf32>
        %max3A_203 = arith.maximumf %add3A_201, %max3A_202 : vector<16xf32>
        %swap3A = arith.index_cast %scan3A_192 : i32 to index
        %swap3A_204 = arith.constant 0 : index
        %swap3A_205 = tpu.vector_load %arg14[%swap3A, %swap3A_204] {strides = array<i32>} : memref<64x128xf32, #tpu.memory_space<vmem>>, vector<1x16xf32>,
        %swap3A_206 = vector.shape_cast %swap3A_205 : vector<1x16xf32> to vector<16xf32>
        %swap3A_207 = vector.shape_cast %max3A_203 : vector<16xf32> to vector<1x16xf32>
        tpu.vector_store %arg14[%swap3A, %swap3A_204], %swap3A_207 {strides = array<i32>} : memref<64x128xf32, #tpu.memory_space<vmem>>, vector<1x16xf32>,
        %get3A_208 = arith.index_cast %scan3A_192 : i32 to index
        %get3A_209 = arith.constant 16 : index
        %get3A_210 = tpu.vector_load %arg12[%get3A_208, %get3A_209] {strides = array<i32>} : memref<64x128xf32, #tpu.memory_space<vmem>>, vector<1x16xf32>,
        %get3A_211 = vector.shape_cast %get3A_210 : vector<1x16xf32> to vector<16xf32>
        %get3A_212 = arith.index_cast %scan3A_192 : i32 to index
        %get3A_213 = arith.constant 16 : index
        %get3A_214 = tpu.vector_load %arg14[%get3A_212, %get3A_213] {strides = array<i32>} : memref<64x128xf32, #tpu.memory_space<vmem>>, vector<1x16xf32>,
        %get3A_215 = vector.shape_cast %get3A_214 : vector<1x16xf32> to vector<16xf32>
        %add3A_216 = arith.addf %get3A_211, %get3A_215 : vector<16xf32>
        %max3A_217 = arith.constant 0.000000e+00 : f32
        %max3A_218 = vector.broadcast %max3A_217 : f32 to vector<16xf32>
        %max3A_219 = arith.maximumf %add3A_216, %max3A_218 : vector<16xf32>
        %swap3A_220 = arith.index_cast %scan3A_192 : i32 to index
        %swap3A_221 = arith.constant 16 : index
        %swap3A_222 = tpu.vector_load %arg14[%swap3A_220, %swap3A_221] {strides = array<i32>} : memref<64x128xf32, #tpu.memory_space<vmem>>, vector<1x16xf32>,
        %swap3A_223 = vector.shape_cast %swap3A_222 : vector<1x16xf32> to vector<16xf32>
        %swap3A_224 = vector.shape_cast %max3A_219 : vector<16xf32> to vector<1x16xf32>
        tpu.vector_store %arg14[%swap3A_220, %swap3A_221], %swap3A_224 {strides = array<i32>} : memref<64x128xf32, #tpu.memory_space<vmem>>, vector<1x16xf32>,
        %get3A_225 = arith.index_cast %scan3A_192 : i32 to index
        %get3A_226 = arith.constant 32 : index
        %get3A_227 = tpu.vector_load %arg12[%get3A_225, %get3A_226] {strides = array<i32>} : memref<64x128xf32, #tpu.memory_space<vmem>>, vector<1x16xf32>,
        %get3A_228 = vector.shape_cast %get3A_227 : vector<1x16xf32> to vector<16xf32>
        %get3A_229 = arith.index_cast %scan3A_192 : i32 to index
        %get3A_230 = arith.constant 32 : index
        %get3A_231 = tpu.vector_load %arg14[%get3A_229, %get3A_230] {strides = array<i32>} : memref<64x128xf32, #tpu.memory_space<vmem>>, vector<1x16xf32>,
        %get3A_232 = vector.shape_cast %get3A_231 : vector<1x16xf32> to vector<16xf32>
        %add3A_233 = arith.addf %get3A_228, %get3A_232 : vector<16xf32>
        %max3A_234 = arith.constant 0.000000e+00 : f32
        %max3A_235 = vector.broadcast %max3A_234 : f32 to vector<16xf32>
        %max3A_236 = arith.maximumf %add3A_233, %max3A_235 : vector<16xf32>
        %swap3A_237 = arith.index_cast %scan3A_192 : i32 to index
        %swap3A_238 = arith.constant 32 : index
        %swap3A_239 = tpu.vector_load %arg14[%swap3A_237, %swap3A_238] {strides = array<i32>} : memref<64x128xf32, #tpu.memory_space<vmem>>, vector<1x16xf32>,
        %swap3A_240 = vector.shape_cast %swap3A_239 : vector<1x16xf32> to vector<16xf32>
        %swap3A_241 = vector.shape_cast %max3A_236 : vector<16xf32> to vector<1x16xf32>
        tpu.vector_store %arg14[%swap3A_237, %swap3A_238], %swap3A_241 {strides = array<i32>} : memref<64x128xf32, #tpu.memory_space<vmem>>, vector<1x16xf32>,
        %get3A_242 = arith.index_cast %scan3A_192 : i32 to index
        %get3A_243 = arith.constant 48 : index
        %get3A_244 = tpu.vector_load %arg12[%get3A_242, %get3A_243] {strides = array<i32>} : memref<64x128xf32, #tpu.memory_space<vmem>>, vector<1x16xf32>,
        %get3A_245 = vector.shape_cast %get3A_244 : vector<1x16xf32> to vector<16xf32>
        %get3A_246 = arith.index_cast %scan3A_192 : i32 to index
        %get3A_247 = arith.constant 48 : index
        %get3A_248 = tpu.vector_load %arg14[%get3A_246, %get3A_247] {strides = array<i32>} : memref<64x128xf32, #tpu.memory_space<vmem>>, vector<1x16xf32>,
        %get3A_249 = vector.shape_cast %get3A_248 : vector<1x16xf32> to vector<16xf32>
        %add3A_250 = arith.addf %get3A_245, %get3A_249 : vector<16xf32>
        %max3A_251 = arith.constant 0.000000e+00 : f32
        %max3A_252 = vector.broadcast %max3A_251 : f32 to vector<16xf32>
        %max3A_253 = arith.maximumf %add3A_250, %max3A_252 : vector<16xf32>
        %swap3A_254 = arith.index_cast %scan3A_192 : i32 to index
        %swap3A_255 = arith.constant 48 : index
        %swap3A_256 = tpu.vector_load %arg14[%swap3A_254, %swap3A_255] {strides = array<i32>} : memref<64x128xf32, #tpu.memory_space<vmem>>, vector<1x16xf32>,
        %swap3A_257 = vector.shape_cast %swap3A_256 : vector<1x16xf32> to vector<16xf32>
        %swap3A_258 = vector.shape_cast %max3A_253 : vector<16xf32> to vector<1x16xf32>
        tpu.vector_store %arg14[%swap3A_254, %swap3A_255], %swap3A_258 {strides = array<i32>} : memref<64x128xf32, #tpu.memory_space<vmem>>, vector<1x16xf32>,
        %get3A_259 = arith.index_cast %scan3A_192 : i32 to index
        %get3A_260 = arith.constant 64 : index
        %get3A_261 = tpu.vector_load %arg12[%get3A_259, %get3A_260] {strides = array<i32>} : memref<64x128xf32, #tpu.memory_space<vmem>>, vector<1x16xf32>,
        %get3A_262 = vector.shape_cast %get3A_261 : vector<1x16xf32> to vector<16xf32>
        %get3A_263 = arith.index_cast %scan3A_192 : i32 to index
        %get3A_264 = arith.constant 64 : index
        %get3A_265 = tpu.vector_load %arg14[%get3A_263, %get3A_264] {strides = array<i32>} : memref<64x128xf32, #tpu.memory_space<vmem>>, vector<1x16xf32>,
        %get3A_266 = vector.shape_cast %get3A_265 : vector<1x16xf32> to vector<16xf32>
        %add3A_267 = arith.addf %get3A_262, %get3A_266 : vector<16xf32>
        %max3A_268 = arith.constant 0.000000e+00 : f32
        %max3A_269 = vector.broadcast %max3A_268 : f32 to vector<16xf32>
        %max3A_270 = arith.maximumf %add3A_267, %max3A_269 : vector<16xf32>
        %swap3A_271 = arith.index_cast %scan3A_192 : i32 to index
        %swap3A_272 = arith.constant 64 : index
        %swap3A_273 = tpu.vector_load %arg14[%swap3A_271, %swap3A_272] {strides = array<i32>} : memref<64x128xf32, #tpu.memory_space<vmem>>, vector<1x16xf32>,
        %swap3A_274 = vector.shape_cast %swap3A_273 : vector<1x16xf32> to vector<16xf32>
        %swap3A_275 = vector.shape_cast %max3A_270 : vector<16xf32> to vector<1x16xf32>
        tpu.vector_store %arg14[%swap3A_271, %swap3A_272], %swap3A_275 {strides = array<i32>} : memref<64x128xf32, #tpu.memory_space<vmem>>, vector<1x16xf32>,
        %get3A_276 = arith.index_cast %scan3A_192 : i32 to index
        %get3A_277 = arith.constant 80 : index
        %get3A_278 = tpu.vector_load %arg12[%get3A_276, %get3A_277] {strides = array<i32>} : memref<64x128xf32, #tpu.memory_space<vmem>>, vector<1x16xf32>,
        %get3A_279 = vector.shape_cast %get3A_278 : vector<1x16xf32> to vector<16xf32>
        %get3A_280 = arith.index_cast %scan3A_192 : i32 to index
        %get3A_281 = arith.constant 80 : index
        %get3A_282 = tpu.vector_load %arg14[%get3A_280, %get3A_281] {strides = array<i32>} : memref<64x128xf32, #tpu.memory_space<vmem>>, vector<1x16xf32>,
        %get3A_283 = vector.shape_cast %get3A_282 : vector<1x16xf32> to vector<16xf32>
        %add3A_284 = arith.addf %get3A_279, %get3A_283 : vector<16xf32>
        %max3A_285 = arith.constant 0.000000e+00 : f32
        %max3A_286 = vector.broadcast %max3A_285 : f32 to vector<16xf32>
        %max3A_287 = arith.maximumf %add3A_284, %max3A_286 : vector<16xf32>
        %swap3A_288 = arith.index_cast %scan3A_192 : i32 to index
        %swap3A_289 = arith.constant 80 : index
        %swap3A_290 = tpu.vector_load %arg14[%swap3A_288, %swap3A_289] {strides = array<i32>} : memref<64x128xf32, #tpu.memory_space<vmem>>, vector<1x16xf32>,
        %swap3A_291 = vector.shape_cast %swap3A_290 : vector<1x16xf32> to vector<16xf32>
        %swap3A_292 = vector.shape_cast %max3A_287 : vector<16xf32> to vector<1x16xf32>
        tpu.vector_store %arg14[%swap3A_288, %swap3A_289], %swap3A_292 {strides = array<i32>} : memref<64x128xf32, #tpu.memory_space<vmem>>, vector<1x16xf32>,
        %get3A_293 = arith.index_cast %scan3A_192 : i32 to index
        %get3A_294 = arith.constant 96 : index
        %get3A_295 = tpu.vector_load %arg12[%get3A_293, %get3A_294] {strides = array<i32>} : memref<64x128xf32, #tpu.memory_space<vmem>>, vector<1x16xf32>,
        %get3A_296 = vector.shape_cast %get3A_295 : vector<1x16xf32> to vector<16xf32>
        %get3A_297 = arith.index_cast %scan3A_192 : i32 to index
        %get3A_298 = arith.constant 96 : index
        %get3A_299 = tpu.vector_load %arg14[%get3A_297, %get3A_298] {strides = array<i32>} : memref<64x128xf32, #tpu.memory_space<vmem>>, vector<1x16xf32>,
        %get3A_300 = vector.shape_cast %get3A_299 : vector<1x16xf32> to vector<16xf32>
        %add3A_301 = arith.addf %get3A_296, %get3A_300 : vector<16xf32>
        %max3A_302 = arith.constant 0.000000e+00 : f32
        %max3A_303 = vector.broadcast %max3A_302 : f32 to vector<16xf32>
        %max3A_304 = arith.maximumf %add3A_301, %max3A_303 : vector<16xf32>
        %swap3A_305 = arith.index_cast %scan3A_192 : i32 to index
        %swap3A_306 = arith.constant 96 : index
        %swap3A_307 = tpu.vector_load %arg14[%swap3A_305, %swap3A_306] {strides = array<i32>} : memref<64x128xf32, #tpu.memory_space<vmem>>, vector<1x16xf32>,
        %swap3A_308 = vector.shape_cast %swap3A_307 : vector<1x16xf32> to vector<16xf32>
        %swap3A_309 = vector.shape_cast %max3A_304 : vector<16xf32> to vector<1x16xf32>
        tpu.vector_store %arg14[%swap3A_305, %swap3A_306], %swap3A_309 {strides = array<i32>} : memref<64x128xf32, #tpu.memory_space<vmem>>, vector<1x16xf32>,
        %get3A_310 = arith.index_cast %scan3A_192 : i32 to index
        %get3A_311 = arith.constant 112 : index
        %get3A_312 = tpu.vector_load %arg12[%get3A_310, %get3A_311] {strides = array<i32>} : memref<64x128xf32, #tpu.memory_space<vmem>>, vector<1x16xf32>,
        %get3A_313 = vector.shape_cast %get3A_312 : vector<1x16xf32> to vector<16xf32>
        %get3A_314 = arith.index_cast %scan3A_192 : i32 to index
        %get3A_315 = arith.constant 112 : index
        %get3A_316 = tpu.vector_load %arg14[%get3A_314, %get3A_315] {strides = array<i32>} : memref<64x128xf32, #tpu.memory_space<vmem>>, vector<1x16xf32>,
        %get3A_317 = vector.shape_cast %get3A_316 : vector<1x16xf32> to vector<16xf32>
        %add3A_318 = arith.addf %get3A_313, %get3A_317 : vector<16xf32>
        %max3A_319 = arith.constant 0.000000e+00 : f32
        %max3A_320 = vector.broadcast %max3A_319 : f32 to vector<16xf32>
        %max3A_321 = arith.maximumf %add3A_318, %max3A_320 : vector<16xf32>
        %swap3A_322 = arith.index_cast %scan3A_192 : i32 to index
        %swap3A_323 = arith.constant 112 : index
        %swap3A_324 = tpu.vector_load %arg14[%swap3A_322, %swap3A_323] {strides = array<i32>} : memref<64x128xf32, #tpu.memory_space<vmem>>, vector<1x16xf32>,
        %swap3A_325 = vector.shape_cast %swap3A_324 : vector<1x16xf32> to vector<16xf32>
        %swap3A_326 = vector.shape_cast %max3A_321 : vector<16xf32> to vector<1x16xf32>
        tpu.vector_store %arg14[%swap3A_322, %swap3A_323], %swap3A_326 {strides = array<i32>} : memref<64x128xf32, #tpu.memory_space<vmem>>, vector<1x16xf32>,
        %scan3A_327 = arith.constant 0 : i32
        scf.yield %scan3A_327 : i32
      }
      %scan3A_180 = arith.constant 64 : i32
      %dma_start3A_181 = arith.constant 0 : i32
      %dma_start3A_182 = arith.constant 0 : i32
      %dma_start3A_183 = tpu.memref_slice %arg25[%dma_start3A_181, %dma_start3A_182] : memref<10000x128xf32, #tpu.memory_space<vmem_shared>> -> memref<10000x128xf32, #tpu.memory_space<vmem_shared>>
      tpu.enqueue_indirect_dma source(%arg14 : memref<64x128xf32, #tpu.memory_space<vmem>>) target(%dma_start3A_183 : memref<10000x128xf32, #tpu.memory_space<vmem_shared>>) offsets(%arg10 : memref<64xi32, #tpu.memory_space<vmem>>) semaphore(%arg24 : memref<!tpu.dma_semaphore, #tpu.memory_space<semaphore_mem>>) {add = true}
      %add3A_184 = arith.constant 2 : i32
      %add3A_185 = arith.addi %add3A_154, %add3A_184 : i32
      %lt3A_186 = arith.constant 156 : i32
      %lt3A_187 = arith.cmpi slt, %add3A_185, %lt3A_186 : i32
      %convert_element_type3A_188 = arith.extui %lt3A_187 : i1 to i32
      %cond3A_189 = arith.constant 0 : i32
      %cond3A_190 = arith.cmpi ne, %convert_element_type3A_188, %cond3A_189 : i32
      scf.if %cond3A_190 {
        %add3A_192 = arith.constant 2 : i32
        %add3A_193 = arith.addi %add3A_154, %add3A_192 : i32
        %mul3A_194 = arith.constant 64 : i32
        %mul3A_195 = arith.muli %add3A_193, %mul3A_194 : i32
        %add3A_196 = arith.addi %mul3A_38, %mul3A_195 : i32
        %multiple_of3A_197 = tpu.assume_multiple %add3A_196, 16 : i32
        %dma_start3A_198 = tpu.memref_slice %arg4[%multiple_of3A_197] : memref<320000xi32, #tpu.memory_space<hbm>> -> memref<64xi32, #tpu.memory_space<hbm>>
        %dma_start3A_199 = tpu.memref_slice %arg4[%multiple_of3A_197] : memref<320000xi32, #tpu.memory_space<hbm>> -> memref<64xi32, #tpu.memory_space<hbm>>
        tpu.enqueue_dma source(%dma_start3A_199 : memref<64xi32, #tpu.memory_space<hbm>>) target(%arg8 : memref<64xi32, #tpu.memory_space<vmem>>) target_semaphore(%arg20 : memref<!tpu.dma_semaphore, #tpu.memory_space<semaphore_mem>>)
        %dma_start3A_200 = tpu.memref_slice %arg5[%multiple_of3A_197] : memref<320000xi32, #tpu.memory_space<hbm>> -> memref<64xi32, #tpu.memory_space<hbm>>
        %dma_start3A_201 = tpu.memref_slice %arg5[%multiple_of3A_197] : memref<320000xi32, #tpu.memory_space<hbm>> -> memref<64xi32, #tpu.memory_space<hbm>>
        tpu.enqueue_dma source(%dma_start3A_201 : memref<64xi32, #tpu.memory_space<hbm>>) target(%arg10 : memref<64xi32, #tpu.memory_space<vmem>>) target_semaphore(%arg20 : memref<!tpu.dma_semaphore, #tpu.memory_space<semaphore_mem>>)
      } else {
      }
      %scan3A_191 = arith.constant 0 : i32
      scf.yield %scan3A_191 : i32
    }
    %scan3A_75 = arith.constant 78 : i32
    %dma_wait3A_76 = arith.constant 0 : i32
    %dma_wait3A_77 = arith.constant 0 : i32
    %dma_wait3A_78 = tpu.memref_slice %arg3[%dma_wait3A_76, %dma_wait3A_77] : memref<320000x128xf32, #tpu.memory_space<hbm>> -> memref<64x128xf32, #tpu.memory_space<hbm>>
    %dma_wait3A_79 = arith.constant 0 : i32
    %dma_wait3A_80 = arith.constant 0 : i32
    %dma_wait3A_81 = tpu.memref_slice %arg3[%dma_wait3A_79, %dma_wait3A_80] : memref<320000x128xf32, #tpu.memory_space<hbm>> -> memref<64x128xf32, #tpu.memory_space<hbm>>
    tpu.wait_dma2 semaphore(%arg23 : memref<!tpu.dma_semaphore, #tpu.memory_space<semaphore_mem>>) src(%dma_wait3A_81 : memref<64x128xf32, #tpu.memory_space<hbm>>) dst(%arg13 : memref<64x128xf32, #tpu.memory_space<vmem>>)
    %dma_wait3A_82 = arith.constant 0 : i32
    %dma_wait3A_83 = arith.constant 0 : i32
    %dma_wait3A_84 = tpu.memref_slice %arg3[%dma_wait3A_82, %dma_wait3A_83] : memref<320000x128xf32, #tpu.memory_space<hbm>> -> memref<64x128xf32, #tpu.memory_space<hbm>>
    %dma_wait3A_85 = arith.constant 0 : i32
    %dma_wait3A_86 = arith.constant 0 : i32
    %dma_wait3A_87 = tpu.memref_slice %arg3[%dma_wait3A_85, %dma_wait3A_86] : memref<320000x128xf32, #tpu.memory_space<hbm>> -> memref<64x128xf32, #tpu.memory_space<hbm>>
    tpu.wait_dma2 semaphore(%arg24 : memref<!tpu.dma_semaphore, #tpu.memory_space<semaphore_mem>>) src(%dma_wait3A_87 : memref<64x128xf32, #tpu.memory_space<hbm>>) dst(%arg14 : memref<64x128xf32, #tpu.memory_space<vmem>>)
    %add3A_88 = arith.constant 9984 : i32
    %add3A_89 = arith.addi %mul3A_38, %add3A_88 : i32
    %multiple_of3A_90 = tpu.assume_multiple %add3A_89, 16 : i32
    "tpu.region"() ({
      %run_scoped3A = tpu.sem_alloc : memref<!tpu.dma_semaphore, #tpu.memory_space<semaphore_mem>>
      %dma_start3A_110 = tpu.memref_slice %arg4[%multiple_of3A_90] : memref<320000xi32, #tpu.memory_space<hbm>> -> memref<16xi32, #tpu.memory_space<hbm>>
      %dma_start3A_111 = tpu.memref_slice %arg4[%multiple_of3A_90] : memref<320000xi32, #tpu.memory_space<hbm>> -> memref<16xi32, #tpu.memory_space<hbm>>
      tpu.enqueue_dma source(%dma_start3A_111 : memref<16xi32, #tpu.memory_space<hbm>>) target(%arg15 : memref<16xi32, #tpu.memory_space<vmem>>) target_semaphore(%run_scoped3A : memref<!tpu.dma_semaphore, #tpu.memory_space<semaphore_mem>>)
      %dma_wait3A_112 = tpu.memref_slice %arg4[%multiple_of3A_90] : memref<320000xi32, #tpu.memory_space<hbm>> -> memref<16xi32, #tpu.memory_space<hbm>>
      %dma_wait3A_113 = tpu.memref_slice %arg4[%multiple_of3A_90] : memref<320000xi32, #tpu.memory_space<hbm>> -> memref<16xi32, #tpu.memory_space<hbm>>
      tpu.wait_dma2 semaphore(%run_scoped3A : memref<!tpu.dma_semaphore, #tpu.memory_space<semaphore_mem>>) src(%dma_wait3A_113 : memref<16xi32, #tpu.memory_space<hbm>>) dst(%arg15 : memref<16xi32, #tpu.memory_space<vmem>>)
      tpu.yield
    }) : () -> ()
    "tpu.region"() ({
      %run_scoped3A = tpu.sem_alloc : memref<!tpu.dma_semaphore, #tpu.memory_space<semaphore_mem>>
      %dma_start3A_110 = tpu.memref_slice %arg5[%multiple_of3A_90] : memref<320000xi32, #tpu.memory_space<hbm>> -> memref<16xi32, #tpu.memory_space<hbm>>
      %dma_start3A_111 = tpu.memref_slice %arg5[%multiple_of3A_90] : memref<320000xi32, #tpu.memory_space<hbm>> -> memref<16xi32, #tpu.memory_space<hbm>>
      tpu.enqueue_dma source(%dma_start3A_111 : memref<16xi32, #tpu.memory_space<hbm>>) target(%arg16 : memref<16xi32, #tpu.memory_space<vmem>>) target_semaphore(%run_scoped3A : memref<!tpu.dma_semaphore, #tpu.memory_space<semaphore_mem>>)
      %dma_wait3A_112 = tpu.memref_slice %arg5[%multiple_of3A_90] : memref<320000xi32, #tpu.memory_space<hbm>> -> memref<16xi32, #tpu.memory_space<hbm>>
      %dma_wait3A_113 = tpu.memref_slice %arg5[%multiple_of3A_90] : memref<320000xi32, #tpu.memory_space<hbm>> -> memref<16xi32, #tpu.memory_space<hbm>>
      tpu.wait_dma2 semaphore(%run_scoped3A : memref<!tpu.dma_semaphore, #tpu.memory_space<semaphore_mem>>) src(%dma_wait3A_113 : memref<16xi32, #tpu.memory_space<hbm>>) dst(%arg16 : memref<16xi32, #tpu.memory_space<vmem>>)
      tpu.yield
    }) : () -> ()
    %dma_start3A_91 = arith.constant 0 : i32
    %dma_start3A_92 = arith.constant 0 : i32
    %dma_start3A_93 = tpu.memref_slice %arg2[%dma_start3A_91, %dma_start3A_92] : memref<10000x128xf32, #tpu.memory_space<hbm>> -> memref<10000x128xf32, #tpu.memory_space<hbm>>
    tpu.enqueue_indirect_dma source(%dma_start3A_93 : memref<10000x128xf32, #tpu.memory_space<hbm>>) target(%arg17 : memref<16x128xf32, #tpu.memory_space<vmem>>) offsets(%arg15 : memref<16xi32, #tpu.memory_space<vmem>>) semaphore(%arg21 : memref<!tpu.dma_semaphore, #tpu.memory_space<semaphore_mem>>)
    %dma_wait3A_94 = arith.constant 0 : i32
    %dma_wait3A_95 = arith.constant 0 : i32
    %dma_wait3A_96 = tpu.memref_slice %arg2[%dma_wait3A_94, %dma_wait3A_95] : memref<10000x128xf32, #tpu.memory_space<hbm>> -> memref<10000x128xf32, #tpu.memory_space<hbm>>
    tpu.wait_indirect_dma semaphore(%arg21 : memref<!tpu.dma_semaphore, #tpu.memory_space<semaphore_mem>>) src(%dma_wait3A_96 : memref<10000x128xf32, #tpu.memory_space<hbm>>) dst(%arg17 : memref<16x128xf32, #tpu.memory_space<vmem>>)
    "tpu.region"() ({
      %run_scoped3A = tpu.sem_alloc : memref<!tpu.dma_semaphore, #tpu.memory_space<semaphore_mem>>
      %dma_start3A_110 = arith.constant 0 : i32
      %dma_start3A_111 = tpu.memref_slice %arg3[%multiple_of3A_90, %dma_start3A_110] : memref<320000x128xf32, #tpu.memory_space<hbm>> -> memref<16x128xf32, #tpu.memory_space<hbm>>
      %dma_start3A_112 = arith.constant 0 : i32
      %dma_start3A_113 = tpu.memref_slice %arg3[%multiple_of3A_90, %dma_start3A_112] : memref<320000x128xf32, #tpu.memory_space<hbm>> -> memref<16x128xf32, #tpu.memory_space<hbm>>
      tpu.enqueue_dma source(%dma_start3A_113 : memref<16x128xf32, #tpu.memory_space<hbm>>) target(%arg18 : memref<16x128xf32, #tpu.memory_space<vmem>>) target_semaphore(%run_scoped3A : memref<!tpu.dma_semaphore, #tpu.memory_space<semaphore_mem>>)
      %dma_wait3A_114 = arith.constant 0 : i32
      %dma_wait3A_115 = tpu.memref_slice %arg3[%multiple_of3A_90, %dma_wait3A_114] : memref<320000x128xf32, #tpu.memory_space<hbm>> -> memref<16x128xf32, #tpu.memory_space<hbm>>
      %dma_wait3A_116 = arith.constant 0 : i32
      %dma_wait3A_117 = tpu.memref_slice %arg3[%multiple_of3A_90, %dma_wait3A_116] : memref<320000x128xf32, #tpu.memory_space<hbm>> -> memref<16x128xf32, #tpu.memory_space<hbm>>
      tpu.wait_dma2 semaphore(%run_scoped3A : memref<!tpu.dma_semaphore, #tpu.memory_space<semaphore_mem>>) src(%dma_wait3A_117 : memref<16x128xf32, #tpu.memory_space<hbm>>) dst(%arg18 : memref<16x128xf32, #tpu.memory_space<vmem>>)
      tpu.yield
    }) : () -> ()
    %scan3A_97 = arith.constant 0 : i32
    %scan3A_98 = arith.constant 0 : i32
    %scan3A_99 = arith.constant 16 : i32
    %scan3A_100 = arith.addi %scan3A_98, %scan3A_99 : i32
    %scan3A_101 = arith.constant 1 : i32
    %scan3A_102 = scf.for %scan3A_110 = %scan3A_98 to %scan3A_100 step %scan3A_101 iter_args(%scan3A_111 = %scan3A_97) -> (i32)  : i32 {
      %get3A = arith.index_cast %scan3A_110 : i32 to index
      %get3A_112 = arith.constant 0 : index
      %get3A_113 = tpu.vector_load %arg17[%get3A, %get3A_112] {strides = array<i32>} : memref<16x128xf32, #tpu.memory_space<vmem>>, vector<1x16xf32>,
      %get3A_114 = vector.shape_cast %get3A_113 : vector<1x16xf32> to vector<16xf32>
      %get3A_115 = arith.index_cast %scan3A_110 : i32 to index
      %get3A_116 = arith.constant 0 : index
      %get3A_117 = tpu.vector_load %arg18[%get3A_115, %get3A_116] {strides = array<i32>} : memref<16x128xf32, #tpu.memory_space<vmem>>, vector<1x16xf32>,
      %get3A_118 = vector.shape_cast %get3A_117 : vector<1x16xf32> to vector<16xf32>
      %add3A_119 = arith.addf %get3A_114, %get3A_118 : vector<16xf32>
      %max3A = arith.constant 0.000000e+00 : f32
      %max3A_120 = vector.broadcast %max3A : f32 to vector<16xf32>
      %max3A_121 = arith.maximumf %add3A_119, %max3A_120 : vector<16xf32>
      %swap3A = arith.index_cast %scan3A_110 : i32 to index
      %swap3A_122 = arith.constant 0 : index
      %swap3A_123 = tpu.vector_load %arg18[%swap3A, %swap3A_122] {strides = array<i32>} : memref<16x128xf32, #tpu.memory_space<vmem>>, vector<1x16xf32>,
      %swap3A_124 = vector.shape_cast %swap3A_123 : vector<1x16xf32> to vector<16xf32>
      %swap3A_125 = vector.shape_cast %max3A_121 : vector<16xf32> to vector<1x16xf32>
      tpu.vector_store %arg18[%swap3A, %swap3A_122], %swap3A_125 {strides = array<i32>} : memref<16x128xf32, #tpu.memory_space<vmem>>, vector<1x16xf32>,
      %get3A_126 = arith.index_cast %scan3A_110 : i32 to index
      %get3A_127 = arith.constant 16 : index
      %get3A_128 = tpu.vector_load %arg17[%get3A_126, %get3A_127] {strides = array<i32>} : memref<16x128xf32, #tpu.memory_space<vmem>>, vector<1x16xf32>,
      %get3A_129 = vector.shape_cast %get3A_128 : vector<1x16xf32> to vector<16xf32>
      %get3A_130 = arith.index_cast %scan3A_110 : i32 to index
      %get3A_131 = arith.constant 16 : index
      %get3A_132 = tpu.vector_load %arg18[%get3A_130, %get3A_131] {strides = array<i32>} : memref<16x128xf32, #tpu.memory_space<vmem>>, vector<1x16xf32>,
      %get3A_133 = vector.shape_cast %get3A_132 : vector<1x16xf32> to vector<16xf32>
      %add3A_134 = arith.addf %get3A_129, %get3A_133 : vector<16xf32>
      %max3A_135 = arith.constant 0.000000e+00 : f32
      %max3A_136 = vector.broadcast %max3A_135 : f32 to vector<16xf32>
      %max3A_137 = arith.maximumf %add3A_134, %max3A_136 : vector<16xf32>
      %swap3A_138 = arith.index_cast %scan3A_110 : i32 to index
      %swap3A_139 = arith.constant 16 : index
      %swap3A_140 = tpu.vector_load %arg18[%swap3A_138, %swap3A_139] {strides = array<i32>} : memref<16x128xf32, #tpu.memory_space<vmem>>, vector<1x16xf32>,
      %swap3A_141 = vector.shape_cast %swap3A_140 : vector<1x16xf32> to vector<16xf32>
      %swap3A_142 = vector.shape_cast %max3A_137 : vector<16xf32> to vector<1x16xf32>
      tpu.vector_store %arg18[%swap3A_138, %swap3A_139], %swap3A_142 {strides = array<i32>} : memref<16x128xf32, #tpu.memory_space<vmem>>, vector<1x16xf32>,
      %get3A_143 = arith.index_cast %scan3A_110 : i32 to index
      %get3A_144 = arith.constant 32 : index
      %get3A_145 = tpu.vector_load %arg17[%get3A_143, %get3A_144] {strides = array<i32>} : memref<16x128xf32, #tpu.memory_space<vmem>>, vector<1x16xf32>,
      %get3A_146 = vector.shape_cast %get3A_145 : vector<1x16xf32> to vector<16xf32>
      %get3A_147 = arith.index_cast %scan3A_110 : i32 to index
      %get3A_148 = arith.constant 32 : index
      %get3A_149 = tpu.vector_load %arg18[%get3A_147, %get3A_148] {strides = array<i32>} : memref<16x128xf32, #tpu.memory_space<vmem>>, vector<1x16xf32>,
      %get3A_150 = vector.shape_cast %get3A_149 : vector<1x16xf32> to vector<16xf32>
      %add3A_151 = arith.addf %get3A_146, %get3A_150 : vector<16xf32>
      %max3A_152 = arith.constant 0.000000e+00 : f32
      %max3A_153 = vector.broadcast %max3A_152 : f32 to vector<16xf32>
      %max3A_154 = arith.maximumf %add3A_151, %max3A_153 : vector<16xf32>
      %swap3A_155 = arith.index_cast %scan3A_110 : i32 to index
      %swap3A_156 = arith.constant 32 : index
      %swap3A_157 = tpu.vector_load %arg18[%swap3A_155, %swap3A_156] {strides = array<i32>} : memref<16x128xf32, #tpu.memory_space<vmem>>, vector<1x16xf32>,
      %swap3A_158 = vector.shape_cast %swap3A_157 : vector<1x16xf32> to vector<16xf32>
      %swap3A_159 = vector.shape_cast %max3A_154 : vector<16xf32> to vector<1x16xf32>
      tpu.vector_store %arg18[%swap3A_155, %swap3A_156], %swap3A_159 {strides = array<i32>} : memref<16x128xf32, #tpu.memory_space<vmem>>, vector<1x16xf32>,
      %get3A_160 = arith.index_cast %scan3A_110 : i32 to index
      %get3A_161 = arith.constant 48 : index
      %get3A_162 = tpu.vector_load %arg17[%get3A_160, %get3A_161] {strides = array<i32>} : memref<16x128xf32, #tpu.memory_space<vmem>>, vector<1x16xf32>,
      %get3A_163 = vector.shape_cast %get3A_162 : vector<1x16xf32> to vector<16xf32>
      %get3A_164 = arith.index_cast %scan3A_110 : i32 to index
      %get3A_165 = arith.constant 48 : index
      %get3A_166 = tpu.vector_load %arg18[%get3A_164, %get3A_165] {strides = array<i32>} : memref<16x128xf32, #tpu.memory_space<vmem>>, vector<1x16xf32>,
      %get3A_167 = vector.shape_cast %get3A_166 : vector<1x16xf32> to vector<16xf32>
      %add3A_168 = arith.addf %get3A_163, %get3A_167 : vector<16xf32>
      %max3A_169 = arith.constant 0.000000e+00 : f32
      %max3A_170 = vector.broadcast %max3A_169 : f32 to vector<16xf32>
      %max3A_171 = arith.maximumf %add3A_168, %max3A_170 : vector<16xf32>
      %swap3A_172 = arith.index_cast %scan3A_110 : i32 to index
      %swap3A_173 = arith.constant 48 : index
      %swap3A_174 = tpu.vector_load %arg18[%swap3A_172, %swap3A_173] {strides = array<i32>} : memref<16x128xf32, #tpu.memory_space<vmem>>, vector<1x16xf32>,
      %swap3A_175 = vector.shape_cast %swap3A_174 : vector<1x16xf32> to vector<16xf32>
      %swap3A_176 = vector.shape_cast %max3A_171 : vector<16xf32> to vector<1x16xf32>
      tpu.vector_store %arg18[%swap3A_172, %swap3A_173], %swap3A_176 {strides = array<i32>} : memref<16x128xf32, #tpu.memory_space<vmem>>, vector<1x16xf32>,
      %get3A_177 = arith.index_cast %scan3A_110 : i32 to index
      %get3A_178 = arith.constant 64 : index
      %get3A_179 = tpu.vector_load %arg17[%get3A_177, %get3A_178] {strides = array<i32>} : memref<16x128xf32, #tpu.memory_space<vmem>>, vector<1x16xf32>,
      %get3A_180 = vector.shape_cast %get3A_179 : vector<1x16xf32> to vector<16xf32>
      %get3A_181 = arith.index_cast %scan3A_110 : i32 to index
      %get3A_182 = arith.constant 64 : index
      %get3A_183 = tpu.vector_load %arg18[%get3A_181, %get3A_182] {strides = array<i32>} : memref<16x128xf32, #tpu.memory_space<vmem>>, vector<1x16xf32>,
      %get3A_184 = vector.shape_cast %get3A_183 : vector<1x16xf32> to vector<16xf32>
      %add3A_185 = arith.addf %get3A_180, %get3A_184 : vector<16xf32>
      %max3A_186 = arith.constant 0.000000e+00 : f32
      %max3A_187 = vector.broadcast %max3A_186 : f32 to vector<16xf32>
      %max3A_188 = arith.maximumf %add3A_185, %max3A_187 : vector<16xf32>
      %swap3A_189 = arith.index_cast %scan3A_110 : i32 to index
      %swap3A_190 = arith.constant 64 : index
      %swap3A_191 = tpu.vector_load %arg18[%swap3A_189, %swap3A_190] {strides = array<i32>} : memref<16x128xf32, #tpu.memory_space<vmem>>, vector<1x16xf32>,
      %swap3A_192 = vector.shape_cast %swap3A_191 : vector<1x16xf32> to vector<16xf32>
      %swap3A_193 = vector.shape_cast %max3A_188 : vector<16xf32> to vector<1x16xf32>
      tpu.vector_store %arg18[%swap3A_189, %swap3A_190], %swap3A_193 {strides = array<i32>} : memref<16x128xf32, #tpu.memory_space<vmem>>, vector<1x16xf32>,
      %get3A_194 = arith.index_cast %scan3A_110 : i32 to index
      %get3A_195 = arith.constant 80 : index
      %get3A_196 = tpu.vector_load %arg17[%get3A_194, %get3A_195] {strides = array<i32>} : memref<16x128xf32, #tpu.memory_space<vmem>>, vector<1x16xf32>,
      %get3A_197 = vector.shape_cast %get3A_196 : vector<1x16xf32> to vector<16xf32>
      %get3A_198 = arith.index_cast %scan3A_110 : i32 to index
      %get3A_199 = arith.constant 80 : index
      %get3A_200 = tpu.vector_load %arg18[%get3A_198, %get3A_199] {strides = array<i32>} : memref<16x128xf32, #tpu.memory_space<vmem>>, vector<1x16xf32>,
      %get3A_201 = vector.shape_cast %get3A_200 : vector<1x16xf32> to vector<16xf32>
      %add3A_202 = arith.addf %get3A_197, %get3A_201 : vector<16xf32>
      %max3A_203 = arith.constant 0.000000e+00 : f32
      %max3A_204 = vector.broadcast %max3A_203 : f32 to vector<16xf32>
      %max3A_205 = arith.maximumf %add3A_202, %max3A_204 : vector<16xf32>
      %swap3A_206 = arith.index_cast %scan3A_110 : i32 to index
      %swap3A_207 = arith.constant 80 : index
      %swap3A_208 = tpu.vector_load %arg18[%swap3A_206, %swap3A_207] {strides = array<i32>} : memref<16x128xf32, #tpu.memory_space<vmem>>, vector<1x16xf32>,
      %swap3A_209 = vector.shape_cast %swap3A_208 : vector<1x16xf32> to vector<16xf32>
      %swap3A_210 = vector.shape_cast %max3A_205 : vector<16xf32> to vector<1x16xf32>
      tpu.vector_store %arg18[%swap3A_206, %swap3A_207], %swap3A_210 {strides = array<i32>} : memref<16x128xf32, #tpu.memory_space<vmem>>, vector<1x16xf32>,
      %get3A_211 = arith.index_cast %scan3A_110 : i32 to index
      %get3A_212 = arith.constant 96 : index
      %get3A_213 = tpu.vector_load %arg17[%get3A_211, %get3A_212] {strides = array<i32>} : memref<16x128xf32, #tpu.memory_space<vmem>>, vector<1x16xf32>,
      %get3A_214 = vector.shape_cast %get3A_213 : vector<1x16xf32> to vector<16xf32>
      %get3A_215 = arith.index_cast %scan3A_110 : i32 to index
      %get3A_216 = arith.constant 96 : index
      %get3A_217 = tpu.vector_load %arg18[%get3A_215, %get3A_216] {strides = array<i32>} : memref<16x128xf32, #tpu.memory_space<vmem>>, vector<1x16xf32>,
      %get3A_218 = vector.shape_cast %get3A_217 : vector<1x16xf32> to vector<16xf32>
      %add3A_219 = arith.addf %get3A_214, %get3A_218 : vector<16xf32>
      %max3A_220 = arith.constant 0.000000e+00 : f32
      %max3A_221 = vector.broadcast %max3A_220 : f32 to vector<16xf32>
      %max3A_222 = arith.maximumf %add3A_219, %max3A_221 : vector<16xf32>
      %swap3A_223 = arith.index_cast %scan3A_110 : i32 to index
      %swap3A_224 = arith.constant 96 : index
      %swap3A_225 = tpu.vector_load %arg18[%swap3A_223, %swap3A_224] {strides = array<i32>} : memref<16x128xf32, #tpu.memory_space<vmem>>, vector<1x16xf32>,
      %swap3A_226 = vector.shape_cast %swap3A_225 : vector<1x16xf32> to vector<16xf32>
      %swap3A_227 = vector.shape_cast %max3A_222 : vector<16xf32> to vector<1x16xf32>
      tpu.vector_store %arg18[%swap3A_223, %swap3A_224], %swap3A_227 {strides = array<i32>} : memref<16x128xf32, #tpu.memory_space<vmem>>, vector<1x16xf32>,
      %get3A_228 = arith.index_cast %scan3A_110 : i32 to index
      %get3A_229 = arith.constant 112 : index
      %get3A_230 = tpu.vector_load %arg17[%get3A_228, %get3A_229] {strides = array<i32>} : memref<16x128xf32, #tpu.memory_space<vmem>>, vector<1x16xf32>,
      %get3A_231 = vector.shape_cast %get3A_230 : vector<1x16xf32> to vector<16xf32>
      %get3A_232 = arith.index_cast %scan3A_110 : i32 to index
      %get3A_233 = arith.constant 112 : index
      %get3A_234 = tpu.vector_load %arg18[%get3A_232, %get3A_233] {strides = array<i32>} : memref<16x128xf32, #tpu.memory_space<vmem>>, vector<1x16xf32>,
      %get3A_235 = vector.shape_cast %get3A_234 : vector<1x16xf32> to vector<16xf32>
      %add3A_236 = arith.addf %get3A_231, %get3A_235 : vector<16xf32>
      %max3A_237 = arith.constant 0.000000e+00 : f32
      %max3A_238 = vector.broadcast %max3A_237 : f32 to vector<16xf32>
      %max3A_239 = arith.maximumf %add3A_236, %max3A_238 : vector<16xf32>
      %swap3A_240 = arith.index_cast %scan3A_110 : i32 to index
      %swap3A_241 = arith.constant 112 : index
      %swap3A_242 = tpu.vector_load %arg18[%swap3A_240, %swap3A_241] {strides = array<i32>} : memref<16x128xf32, #tpu.memory_space<vmem>>, vector<1x16xf32>,
      %swap3A_243 = vector.shape_cast %swap3A_242 : vector<1x16xf32> to vector<16xf32>
      %swap3A_244 = vector.shape_cast %max3A_239 : vector<16xf32> to vector<1x16xf32>
      tpu.vector_store %arg18[%swap3A_240, %swap3A_241], %swap3A_244 {strides = array<i32>} : memref<16x128xf32, #tpu.memory_space<vmem>>, vector<1x16xf32>,
      %scan3A_245 = arith.constant 0 : i32
      scf.yield %scan3A_245 : i32
    }
    %scan3A_103 = arith.constant 16 : i32
    "tpu.region"() ({
      %run_scoped3A = tpu.sem_alloc : memref<!tpu.dma_semaphore, #tpu.memory_space<semaphore_mem>>
      %dma_start3A_110 = arith.constant 0 : i32
      %dma_start3A_111 = arith.constant 0 : i32
      %dma_start3A_112 = tpu.memref_slice %arg25[%dma_start3A_110, %dma_start3A_111] : memref<10000x128xf32, #tpu.memory_space<vmem_shared>> -> memref<10000x128xf32, #tpu.memory_space<vmem_shared>>
      tpu.enqueue_indirect_dma source(%arg18 : memref<16x128xf32, #tpu.memory_space<vmem>>) target(%dma_start3A_112 : memref<10000x128xf32, #tpu.memory_space<vmem_shared>>) offsets(%arg16 : memref<16xi32, #tpu.memory_space<vmem>>) semaphore(%run_scoped3A : memref<!tpu.dma_semaphore, #tpu.memory_space<semaphore_mem>>) {add = true}
      %dma_wait3A_113 = arith.constant 0 : i32
      %dma_wait3A_114 = arith.constant 0 : i32
      %dma_wait3A_115 = tpu.memref_slice %arg25[%dma_wait3A_113, %dma_wait3A_114] : memref<10000x128xf32, #tpu.memory_space<vmem_shared>> -> memref<10000x128xf32, #tpu.memory_space<vmem_shared>>
      tpu.wait_indirect_dma semaphore(%run_scoped3A : memref<!tpu.dma_semaphore, #tpu.memory_space<semaphore_mem>>) src(%arg18 : memref<16x128xf32, #tpu.memory_space<vmem>>) dst(%dma_wait3A_115 : memref<10000x128xf32, #tpu.memory_space<vmem_shared>>)
      tpu.yield
    }) : () -> ()
    %barrier3A_104 = arith.constant 0 : index
    tpu.barrier barrier_id(%barrier3A_104)
    "tpu.region"() ({
      %run_scoped3A = tpu.sem_alloc : memref<!tpu.dma_semaphore, #tpu.memory_space<semaphore_mem>>
      %dma_start3A_110 = arith.constant 0 : i32
      %dma_start3A_111 = tpu.memref_slice %arg6[%arg0, %multiple_of3A, %dma_start3A_110] : memref<2x10000x128xf32, #tpu.memory_space<hbm>> -> memref<1x624x128xf32, #tpu.memory_space<hbm>>
      %dma_start3A_112 = tpu.memref_squeeze %dma_start3A_111 : memref<1x624x128xf32, #tpu.memory_space<hbm>> -> memref<624x128xf32, #tpu.memory_space<hbm>>
      %dma_start3A_113 = arith.constant 0 : i32
      %dma_start3A_114 = tpu.memref_slice %arg25[%multiple_of3A, %dma_start3A_113] : memref<10000x128xf32, #tpu.memory_space<vmem_shared>> -> memref<624x128xf32, #tpu.memory_space<vmem_shared>>
      tpu.enqueue_dma source(%dma_start3A_114 : memref<624x128xf32, #tpu.memory_space<vmem_shared>>) target(%dma_start3A_112 : memref<624x128xf32, #tpu.memory_space<hbm>>) target_semaphore(%run_scoped3A : memref<!tpu.dma_semaphore, #tpu.memory_space<semaphore_mem>>)
      %dma_wait3A_115 = arith.constant 0 : i32
      %dma_wait3A_116 = tpu.memref_slice %arg6[%arg0, %multiple_of3A, %dma_wait3A_115] : memref<2x10000x128xf32, #tpu.memory_space<hbm>> -> memref<1x624x128xf32, #tpu.memory_space<hbm>>
      %dma_wait3A_117 = tpu.memref_squeeze %dma_wait3A_116 : memref<1x624x128xf32, #tpu.memory_space<hbm>> -> memref<624x128xf32, #tpu.memory_space<hbm>>
      %dma_wait3A_118 = arith.constant 0 : i32
      %dma_wait3A_119 = tpu.memref_slice %arg25[%multiple_of3A, %dma_wait3A_118] : memref<10000x128xf32, #tpu.memory_space<vmem_shared>> -> memref<624x128xf32, #tpu.memory_space<vmem_shared>>
      tpu.wait_dma2 semaphore(%run_scoped3A : memref<!tpu.dma_semaphore, #tpu.memory_space<semaphore_mem>>) src(%dma_wait3A_119 : memref<624x128xf32, #tpu.memory_space<vmem_shared>>) dst(%dma_wait3A_117 : memref<624x128xf32, #tpu.memory_space<hbm>>)
      tpu.yield
    }) : () -> ()
    %eq3A_105 = arith.constant 15 : i32
    %eq3A_106 = arith.cmpi eq, %arg1, %eq3A_105 : i32
    %convert_element_type3A_107 = arith.extui %eq3A_106 : i1 to i32
    %cond3A_108 = arith.constant 0 : i32
    %cond3A_109 = arith.cmpi ne, %convert_element_type3A_107, %cond3A_108 : i32
    scf.if %cond3A_109 {
      "tpu.region"() ({
        %run_scoped3A = tpu.sem_alloc : memref<!tpu.dma_semaphore, #tpu.memory_space<semaphore_mem>>
        %dma_start3A_110 = arith.constant 9984 : i32
        %dma_start3A_111 = arith.constant 0 : i32
        %dma_start3A_112 = tpu.memref_slice %arg6[%arg0, %dma_start3A_110, %dma_start3A_111] : memref<2x10000x128xf32, #tpu.memory_space<hbm>> -> memref<1x16x128xf32, #tpu.memory_space<hbm>>
        %dma_start3A_113 = tpu.memref_squeeze %dma_start3A_112 : memref<1x16x128xf32, #tpu.memory_space<hbm>> -> memref<16x128xf32, #tpu.memory_space<hbm>>
        %dma_start3A_114 = arith.constant 9984 : i32
        %dma_start3A_115 = arith.constant 0 : i32
        %dma_start3A_116 = tpu.memref_slice %arg25[%dma_start3A_114, %dma_start3A_115] : memref<10000x128xf32, #tpu.memory_space<vmem_shared>> -> memref<16x128xf32, #tpu.memory_space<vmem_shared>>
        tpu.enqueue_dma source(%dma_start3A_116 : memref<16x128xf32, #tpu.memory_space<vmem_shared>>) target(%dma_start3A_113 : memref<16x128xf32, #tpu.memory_space<hbm>>) target_semaphore(%run_scoped3A : memref<!tpu.dma_semaphore, #tpu.memory_space<semaphore_mem>>)
        %dma_wait3A_117 = arith.constant 9984 : i32
        %dma_wait3A_118 = arith.constant 0 : i32
        %dma_wait3A_119 = tpu.memref_slice %arg6[%arg0, %dma_wait3A_117, %dma_wait3A_118] : memref<2x10000x128xf32, #tpu.memory_space<hbm>> -> memref<1x16x128xf32, #tpu.memory_space<hbm>>
        %dma_wait3A_120 = tpu.memref_squeeze %dma_wait3A_119 : memref<1x16x128xf32, #tpu.memory_space<hbm>> -> memref<16x128xf32, #tpu.memory_space<hbm>>
        %dma_wait3A_121 = arith.constant 9984 : i32
        %dma_wait3A_122 = arith.constant 0 : i32
        %dma_wait3A_123 = tpu.memref_slice %arg25[%dma_wait3A_121, %dma_wait3A_122] : memref<10000x128xf32, #tpu.memory_space<vmem_shared>> -> memref<16x128xf32, #tpu.memory_space<vmem_shared>>
        tpu.wait_dma2 semaphore(%run_scoped3A : memref<!tpu.dma_semaphore, #tpu.memory_space<semaphore_mem>>) src(%dma_wait3A_123 : memref<16x128xf32, #tpu.memory_space<vmem_shared>>) dst(%dma_wait3A_120 : memref<16x128xf32, #tpu.memory_space<hbm>>)
        tpu.yield
      }) : () -> ()
    } else {
    }
    return
  }
}

module attributes {stable_mosaic.version = 14 : i64} {
  func.func @_dense_mish_body(%arg0: i32, %arg1: memref<4000x128xf32, #tpu.memory_space<vmem>>, %arg2: memref<128x128xf32, #tpu.memory_space<vmem>>, %arg3: memref<1x128xf32, #tpu.memory_space<vmem>>, %arg4: memref<4000x128xf32, #tpu.memory_space<vmem>>) attributes {dimension_semantics = [#tpu.dimension_semantics<arbitrary>], iteration_bounds = array<i64: 80>, scalar_prefetch = 0 : i64, scratch_operands = 0 : i64, tpu.core_type = #tpu.core_type<tc>, window_params = [{transform_indices = @transform_0, window_bounds = array<i64: 4000, 128>}, {pipeline_mode = #tpu.pipeline_mode<synchronous>, transform_indices = @transform_1, window_bounds = array<i64: 128, 128>}, {pipeline_mode = #tpu.pipeline_mode<synchronous>, transform_indices = @transform_2, window_bounds = array<i64: 1, 128>}, {transform_indices = @transform_3, window_bounds = array<i64: 4000, 128>}]} {
    %get3A = arith.constant 0 : index
    %get3A_0 = arith.constant 0 : index
    %get3A_1 = vector.load %arg1[%get3A, %get3A_0] : memref<4000x128xf32, #tpu.memory_space<vmem>>, vector<4000x128xf32>
    %get3A_2 = arith.constant 0 : index
    %get3A_3 = arith.constant 0 : index
    %get3A_4 = vector.load %arg2[%get3A_2, %get3A_3] : memref<128x128xf32, #tpu.memory_space<vmem>>, vector<128x128xf32>
    %dot_general3A = arith.constant dense<0.000000e+00> : vector<4000x128xf32>
    %dot_general3A_5 = tpu.matmul %get3A_1, %get3A_4, %dot_general3A {dimension_numbers = #tpu.dot_dimension_numbers<[1], [1], [0], [0], [0, 0, 1, 0], [], []>, transpose_lhs_hint = false} : vector<4000x128xf32>, vector<128x128xf32>, vector<4000x128xf32> -> vector<4000x128xf32>
    %get3A_6 = arith.constant 0 : index
    %get3A_7 = arith.constant 0 : index
    %get3A_8 = vector.load %arg3[%get3A_6, %get3A_7] : memref<1x128xf32, #tpu.memory_space<vmem>>, vector<1x128xf32>
    %add3A = vector.broadcast %get3A_8 : vector<1x128xf32> to vector<4000x128xf32>
    %add3A_9 = arith.addf %dot_general3A_5, %add3A : vector<4000x128xf32>
    %custom_jvp_call3A = arith.constant 0.000000e+00 : f32
    %max3A = vector.broadcast %custom_jvp_call3A : f32 to vector<4000x128xf32>
    %max3A_10 = arith.maximumf %add3A_9, %max3A : vector<4000x128xf32>
    %sub3A = vector.broadcast %custom_jvp_call3A : f32 to vector<4000x128xf32>
    %sub3A_11 = arith.subf %add3A_9, %sub3A : vector<4000x128xf32>
    %ne3A = arith.cmpf one, %sub3A_11, %sub3A_11 : vector<4000x128xf32>
    %add3A_12 = vector.broadcast %custom_jvp_call3A : f32 to vector<4000x128xf32>
    %add3A_13 = arith.addf %add3A_9, %add3A_12 : vector<4000x128xf32>
    %abs3A = math.absf %sub3A_11 : vector<4000x128xf32>
    %neg3A = arith.constant 0.000000e+00 : f32
    %neg3A_14 = vector.broadcast %neg3A : f32 to vector<4000x128xf32>
    %neg3A_15 = arith.subf %neg3A_14, %abs3A : vector<4000x128xf32>
    %exp3A = math.exp %neg3A_15 : vector<4000x128xf32>
    %log1p3A = math.log1p %exp3A : vector<4000x128xf32>
    %add3A_16 = arith.addf %max3A_10, %log1p3A : vector<4000x128xf32>
    %select_n3A = arith.select %ne3A, %add3A_13, %add3A_16 : vector<4000x128xi1>, vector<4000x128xf32>
    %tanh3A = math.tanh %select_n3A : vector<4000x128xf32>
    %mul3A = arith.mulf %add3A_9, %tanh3A : vector<4000x128xf32>
    %swap3A = arith.constant 0 : index
    %swap3A_17 = arith.constant 0 : index
    %swap3A_18 = vector.load %arg4[%swap3A, %swap3A_17] : memref<4000x128xf32, #tpu.memory_space<vmem>>, vector<4000x128xf32>
    tpu.vector_store %arg4[%swap3A, %swap3A_17], %mul3A {strides = array<i32>} : memref<4000x128xf32, #tpu.memory_space<vmem>>, vector<4000x128xf32>,
    return
  }
  func.func @transform_0(%arg0: i32) -> (i32, i32) {
    %c0_i32 = arith.constant 0 : i32
    %c0_i32_0 = arith.constant 0 : i32
    return %arg0, %c0_i32 : i32, i32
  }
  func.func @transform_1(%arg0: i32) -> (i32, i32) {
    %c0_i32 = arith.constant 0 : i32
    %c0_i32_0 = arith.constant 0 : i32
    %c0_i32_1 = arith.constant 0 : i32
    return %c0_i32, %c0_i32_0 : i32, i32
  }
  func.func @transform_2(%arg0: i32) -> (i32, i32) {
    %c0_i32 = arith.constant 0 : i32
    %c0_i32_0 = arith.constant 0 : i32
    %c0_i32_1 = arith.constant 0 : i32
    return %c0_i32, %c0_i32_0 : i32, i32
  }
  func.func @transform_3(%arg0: i32) -> (i32, i32) {
    %c0_i32 = arith.constant 0 : i32
    %c0_i32_0 = arith.constant 0 : i32
    return %arg0, %c0_i32 : i32, i32
  }
}

module attributes {stable_mosaic.version = 14 : i64} {
  func.func @_dense_mish_body(%arg0: i32, %arg1: memref<1000x128xf32, #tpu.memory_space<vmem>>, %arg2: memref<128x128xf32, #tpu.memory_space<vmem>>, %arg3: memref<1x128xf32, #tpu.memory_space<vmem>>, %arg4: memref<1000x128xf32, #tpu.memory_space<vmem>>) attributes {dimension_semantics = [#tpu.dimension_semantics<arbitrary>], iteration_bounds = array<i64: 10>, scalar_prefetch = 0 : i64, scratch_operands = 0 : i64, tpu.core_type = #tpu.core_type<tc>, window_params = [{transform_indices = @transform_0, window_bounds = array<i64: 1000, 128>}, {pipeline_mode = #tpu.pipeline_mode<synchronous>, transform_indices = @transform_1, window_bounds = array<i64: 128, 128>}, {pipeline_mode = #tpu.pipeline_mode<synchronous>, transform_indices = @transform_2, window_bounds = array<i64: 1, 128>}, {transform_indices = @transform_3, window_bounds = array<i64: 1000, 128>}]} {
    %get3A = arith.constant 0 : index
    %get3A_0 = arith.constant 0 : index
    %get3A_1 = vector.load %arg1[%get3A, %get3A_0] : memref<1000x128xf32, #tpu.memory_space<vmem>>, vector<1000x128xf32>
    %get3A_2 = arith.constant 0 : index
    %get3A_3 = arith.constant 0 : index
    %get3A_4 = vector.load %arg2[%get3A_2, %get3A_3] : memref<128x128xf32, #tpu.memory_space<vmem>>, vector<128x128xf32>
    %dot_general3A = arith.constant dense<0.000000e+00> : vector<1000x128xf32>
    %dot_general3A_5 = tpu.matmul %get3A_1, %get3A_4, %dot_general3A {dimension_numbers = #tpu.dot_dimension_numbers<[1], [1], [0], [0], [0, 0, 1, 0], [], []>, transpose_lhs_hint = false} : vector<1000x128xf32>, vector<128x128xf32>, vector<1000x128xf32> -> vector<1000x128xf32>
    %get3A_6 = arith.constant 0 : index
    %get3A_7 = arith.constant 0 : index
    %get3A_8 = vector.load %arg3[%get3A_6, %get3A_7] : memref<1x128xf32, #tpu.memory_space<vmem>>, vector<1x128xf32>
    %add3A = vector.broadcast %get3A_8 : vector<1x128xf32> to vector<1000x128xf32>
    %add3A_9 = arith.addf %dot_general3A_5, %add3A : vector<1000x128xf32>
    %custom_jvp_call3A = arith.constant 0.000000e+00 : f32
    %max3A = vector.broadcast %custom_jvp_call3A : f32 to vector<1000x128xf32>
    %max3A_10 = arith.maximumf %add3A_9, %max3A : vector<1000x128xf32>
    %sub3A = vector.broadcast %custom_jvp_call3A : f32 to vector<1000x128xf32>
    %sub3A_11 = arith.subf %add3A_9, %sub3A : vector<1000x128xf32>
    %ne3A = arith.cmpf one, %sub3A_11, %sub3A_11 : vector<1000x128xf32>
    %add3A_12 = vector.broadcast %custom_jvp_call3A : f32 to vector<1000x128xf32>
    %add3A_13 = arith.addf %add3A_9, %add3A_12 : vector<1000x128xf32>
    %abs3A = math.absf %sub3A_11 : vector<1000x128xf32>
    %neg3A = arith.constant 0.000000e+00 : f32
    %neg3A_14 = vector.broadcast %neg3A : f32 to vector<1000x128xf32>
    %neg3A_15 = arith.subf %neg3A_14, %abs3A : vector<1000x128xf32>
    %exp3A = math.exp %neg3A_15 : vector<1000x128xf32>
    %log1p3A = math.log1p %exp3A : vector<1000x128xf32>
    %add3A_16 = arith.addf %max3A_10, %log1p3A : vector<1000x128xf32>
    %select_n3A = arith.select %ne3A, %add3A_13, %add3A_16 : vector<1000x128xi1>, vector<1000x128xf32>
    %tanh3A = math.tanh %select_n3A : vector<1000x128xf32>
    %mul3A = arith.mulf %add3A_9, %tanh3A : vector<1000x128xf32>
    %swap3A = arith.constant 0 : index
    %swap3A_17 = arith.constant 0 : index
    %swap3A_18 = vector.load %arg4[%swap3A, %swap3A_17] : memref<1000x128xf32, #tpu.memory_space<vmem>>, vector<1000x128xf32>
    tpu.vector_store %arg4[%swap3A, %swap3A_17], %mul3A {strides = array<i32>} : memref<1000x128xf32, #tpu.memory_space<vmem>>, vector<1000x128xf32>,
    return
  }
  func.func @transform_0(%arg0: i32) -> (i32, i32) {
    %c0_i32 = arith.constant 0 : i32
    %c0_i32_0 = arith.constant 0 : i32
    return %arg0, %c0_i32 : i32, i32
  }
  func.func @transform_1(%arg0: i32) -> (i32, i32) {
    %c0_i32 = arith.constant 0 : i32
    %c0_i32_0 = arith.constant 0 : i32
    %c0_i32_1 = arith.constant 0 : i32
    return %c0_i32, %c0_i32_0 : i32, i32
  }
  func.func @transform_2(%arg0: i32) -> (i32, i32) {
    %c0_i32 = arith.constant 0 : i32
    %c0_i32_0 = arith.constant 0 : i32
    %c0_i32_1 = arith.constant 0 : i32
    return %c0_i32, %c0_i32_0 : i32, i32
  }
  func.func @transform_3(%arg0: i32) -> (i32, i32) {
    %c0_i32 = arith.constant 0 : i32
    %c0_i32_0 = arith.constant 0 : i32
    return %arg0, %c0_i32 : i32, i32
  }
}

module attributes {stable_mosaic.version = 14 : i64} {
  func.func @_final_body(%arg0: i32, %arg1: memref<1000x128xf32, #tpu.memory_space<vmem>>, %arg2: memref<1000x128xf32, #tpu.memory_space<vmem>>, %arg3: memref<1000x128xf32, #tpu.memory_space<vmem>>, %arg4: memref<128x128xf32, #tpu.memory_space<vmem>>, %arg5: memref<1x128xf32, #tpu.memory_space<vmem>>, %arg6: memref<1000x128xf32, #tpu.memory_space<vmem>>) attributes {dimension_semantics = [#tpu.dimension_semantics<arbitrary>], iteration_bounds = array<i64: 10>, scalar_prefetch = 0 : i64, scratch_operands = 0 : i64, tpu.core_type = #tpu.core_type<tc>, window_params = [{transform_indices = @transform_0, window_bounds = array<i64: 1000, 128>}, {transform_indices = @transform_1, window_bounds = array<i64: 1000, 128>}, {transform_indices = @transform_2, window_bounds = array<i64: 1000, 128>}, {pipeline_mode = #tpu.pipeline_mode<synchronous>, transform_indices = @transform_3, window_bounds = array<i64: 128, 128>}, {pipeline_mode = #tpu.pipeline_mode<synchronous>, transform_indices = @transform_4, window_bounds = array<i64: 1, 128>}, {transform_indices = @transform_5, window_bounds = array<i64: 1000, 128>}]} {
    %get3A = arith.constant 0 : index
    %get3A_0 = arith.constant 0 : index
    %get3A_1 = vector.load %arg1[%get3A, %get3A_0] : memref<1000x128xf32, #tpu.memory_space<vmem>>, vector<1000x128xf32>
    %get3A_2 = arith.constant 0 : index
    %get3A_3 = arith.constant 0 : index
    %get3A_4 = vector.load %arg2[%get3A_2, %get3A_3] : memref<1000x128xf32, #tpu.memory_space<vmem>>, vector<1000x128xf32>
    %add3A = arith.addf %get3A_1, %get3A_4 : vector<1000x128xf32>
    %get3A_5 = arith.constant 0 : index
    %get3A_6 = arith.constant 0 : index
    %get3A_7 = vector.load %arg3[%get3A_5, %get3A_6] : memref<1000x128xf32, #tpu.memory_space<vmem>>, vector<1000x128xf32>
    %add3A_8 = arith.addf %add3A, %get3A_7 : vector<1000x128xf32>
    %get3A_9 = arith.constant 0 : index
    %get3A_10 = arith.constant 0 : index
    %get3A_11 = vector.load %arg4[%get3A_9, %get3A_10] : memref<128x128xf32, #tpu.memory_space<vmem>>, vector<128x128xf32>
    %dot_general3A = arith.constant dense<0.000000e+00> : vector<1000x128xf32>
    %dot_general3A_12 = tpu.matmul %add3A_8, %get3A_11, %dot_general3A {dimension_numbers = #tpu.dot_dimension_numbers<[1], [1], [0], [0], [0, 0, 1, 0], [], []>, transpose_lhs_hint = false} : vector<1000x128xf32>, vector<128x128xf32>, vector<1000x128xf32> -> vector<1000x128xf32>
    %get3A_13 = arith.constant 0 : index
    %get3A_14 = arith.constant 0 : index
    %get3A_15 = vector.load %arg5[%get3A_13, %get3A_14] : memref<1x128xf32, #tpu.memory_space<vmem>>, vector<1x128xf32>
    %add3A_16 = vector.broadcast %get3A_15 : vector<1x128xf32> to vector<1000x128xf32>
    %add3A_17 = arith.addf %dot_general3A_12, %add3A_16 : vector<1000x128xf32>
    %custom_jvp_call3A = arith.constant 0.000000e+00 : f32
    %max3A = vector.broadcast %custom_jvp_call3A : f32 to vector<1000x128xf32>
    %max3A_18 = arith.maximumf %add3A_17, %max3A : vector<1000x128xf32>
    %sub3A = vector.broadcast %custom_jvp_call3A : f32 to vector<1000x128xf32>
    %sub3A_19 = arith.subf %add3A_17, %sub3A : vector<1000x128xf32>
    %ne3A = arith.cmpf one, %sub3A_19, %sub3A_19 : vector<1000x128xf32>
    %add3A_20 = vector.broadcast %custom_jvp_call3A : f32 to vector<1000x128xf32>
    %add3A_21 = arith.addf %add3A_17, %add3A_20 : vector<1000x128xf32>
    %abs3A = math.absf %sub3A_19 : vector<1000x128xf32>
    %neg3A = arith.constant 0.000000e+00 : f32
    %neg3A_22 = vector.broadcast %neg3A : f32 to vector<1000x128xf32>
    %neg3A_23 = arith.subf %neg3A_22, %abs3A : vector<1000x128xf32>
    %exp3A = math.exp %neg3A_23 : vector<1000x128xf32>
    %log1p3A = math.log1p %exp3A : vector<1000x128xf32>
    %add3A_24 = arith.addf %max3A_18, %log1p3A : vector<1000x128xf32>
    %select_n3A = arith.select %ne3A, %add3A_21, %add3A_24 : vector<1000x128xi1>, vector<1000x128xf32>
    %tanh3A = math.tanh %select_n3A : vector<1000x128xf32>
    %mul3A = arith.mulf %add3A_17, %tanh3A : vector<1000x128xf32>
    %swap3A = arith.constant 0 : index
    %swap3A_25 = arith.constant 0 : index
    %swap3A_26 = vector.load %arg6[%swap3A, %swap3A_25] : memref<1000x128xf32, #tpu.memory_space<vmem>>, vector<1000x128xf32>
    tpu.vector_store %arg6[%swap3A, %swap3A_25], %mul3A {strides = array<i32>} : memref<1000x128xf32, #tpu.memory_space<vmem>>, vector<1000x128xf32>,
    return
  }
  func.func @transform_0(%arg0: i32) -> (i32, i32) {
    %c0_i32 = arith.constant 0 : i32
    %c0_i32_0 = arith.constant 0 : i32
    return %arg0, %c0_i32 : i32, i32
  }
  func.func @transform_1(%arg0: i32) -> (i32, i32) {
    %c0_i32 = arith.constant 0 : i32
    %c0_i32_0 = arith.constant 0 : i32
    return %arg0, %c0_i32 : i32, i32
  }
  func.func @transform_2(%arg0: i32) -> (i32, i32) {
    %c0_i32 = arith.constant 0 : i32
    %c0_i32_0 = arith.constant 0 : i32
    return %arg0, %c0_i32 : i32, i32
  }
  func.func @transform_3(%arg0: i32) -> (i32, i32) {
    %c0_i32 = arith.constant 0 : i32
    %c0_i32_0 = arith.constant 0 : i32
    %c0_i32_1 = arith.constant 0 : i32
    return %c0_i32, %c0_i32_0 : i32, i32
  }
  func.func @transform_4(%arg0: i32) -> (i32, i32) {
    %c0_i32 = arith.constant 0 : i32
    %c0_i32_0 = arith.constant 0 : i32
    %c0_i32_1 = arith.constant 0 : i32
    return %c0_i32, %c0_i32_0 : i32, i32
  }
  func.func @transform_5(%arg0: i32) -> (i32, i32) {
    %c0_i32 = arith.constant 0 : i32
    %c0_i32_0 = arith.constant 0 : i32
    return %arg0, %c0_i32 : i32, i32
  }
}

</mosaic_0001>

<sc_bundles>
// kernel: kernel.6.cloned.1.call-start
scs
__scs_entry_jumppad:
0x0: {  	(pc) =	sbr.rel $0x88, $3  }
0x1: {  	(tag) =	ssettag $0x0;
	lr =	simm.s32 $0x1  }
0x2: {  	[smem:$0x3F98] =	sst lr;
	_ =	strace $0xD0000000  }
0x3: {  	_ = 	snop  }
0x4: {  	_ = 	snop  }
0x5: {  	_ = 	snop  }
0x6: {  	_ = 	snop  }
0x7: {  	_ = 	snop  }
__scs_overlays_trampoline_lowered:
0x8: {  	[smem:$0x3FA7] =	sst s0  }
0x9: {  	[smem:$0x3FA8] =	sst s1  }
0xa: {  	[smem:$0x3FA9] =	sst s2  }
0xb: {  	[smem:$0x3FAA] =	sst s3  }
0xc: {  	[smem:$0x3FAB] =	sst s4  }
0xd: {  	[smem:$0x3FAC] =	sst s5  }
0xe: {  	[smem:$0x3FAD] =	sst s6  }
0xf: {  	[smem:$0x3FAE] =	sst s7  }
0x10: {  	[smem:$0x3FAF] =	sst s8  }
0x11: {  	[smem:$0x3FB0] =	sst s9;
	s0 =	simm.s32 @!p0 $0x0  }
0x12: {  	s1 =	sld [smem:$0x3F96];
	s0 =	simm.s32 @p0 $0x1  }
0x13: {  	[smem:$0x3FB1] =	sst s0;
	s0 =	simm.s32 @!p1 $0x0  }
0x14: {  	s2 =	sld [smem:$0x3F95];
	s0 =	simm.s32 @p1 $0x1  }
0x15: {  	[smem:$0x3FB2] =	sst s0;
	s0 =	simm.s32 @!p2 $0x0  }
0x16: {  	s3 =	sld [smem:$0x3FDB];
	s0 =	simm.s32 @p2 $0x1  }
0x17: {  	s4 =	simm.s32 $0x1BF5;
	[smem:$0x3FB4] =	sst s0  }
0x18: {  	s0 =	sld [smem:$0x3F97];
	_ =	swait.ge [sflag:s4], $0x0  }
0x19: {  	s7 =	sld [smem:$0x3F98]  }
0x1a: {  	s8 =	sadd.s32 $0xFFFFE003, lr  }
0x1b: {  	s9 =	sadd.s32 $0xFFFFFEF7, lr;
	s5 =	simm.s32 $0xFFFFFFFF;
	p2 =	slt.u32 s8, $0xFFFFF086  }
0x1c: {  	p1 =	slt.u32 s9, $0xF7A;
	s5 =	simm.s32 @!p2 $0x0  }
0x1d: {  	s5 =	simm.s32 @p1 $0x1;
	p0 =	seq.s32 s7, s2  }
0x1e: {  	s7 =	smul.u32 @!p0 $0xF7A, s2;
	p2 =	seq.s32 @!p0 s5, $0x0  }
0x1f: {  	s9 =	smul.u32 $0xF7A, s1;
	s8 =	simm.s32 @!p0 $0x1BF5;
	p2 =	por !p2, p0  }
0x20: {  	[sflag:s8] =	ssyncset.s32 @!p0 $0xFFFFF086;
	s6 =	sadd.s32 @!p0 s3, s7;
	s7 =	simm.s32 @!p0 $0x108  }
0x21: {  	s3 =	sadd.s32 s3, s9;
	s6 =	sadd.s32 @!p0 $0x88, s6;
	s7 =	simm.s32 @p2 $0x1082  }
0x22: {  	[simem:s7], [sflag:s8] =	dma.local @!p0 [hbm:s6], $0xF7A  }
0x23: {  	s9 =	sor.u32 $0xD0000000, s2;
	s6 =	simm.s32 $0x108;
	_ =	swait.ge @!p0 [sflag:s8], $0x0  }
0x24: {  	s3 =	sadd.s32 $0x88, s3;
	s6 =	simm.s32 @!p1 $0x1082;
	[sflag:s4] =	ssyncset.s32 $0xFFFFF086  }
0x25: {  	[simem:s6], [sflag:s4] =	dma.local [hbm:s3], $0xF7A  }
0x26: {  	[smem:$0x3F98] =	sst s1;
	(tag) =	ssettag s2;
	_ =	strace s9  }
0x27: {  	s1 =	sld [smem:$0x3FA8]  }
0x28: {  	s2 =	sld [smem:$0x3FA9]  }
0x29: {  	s4 =	sld [smem:$0x3FAB]  }
0x2a: {  	p0 =	seq.s32 s5, $0x0;
	s5 =	sld [smem:$0x3FAC]  }
0x2b: {  	s6 =	sld [smem:$0x3FAD]  }
0x2c: {  	s7 =	sld [smem:$0x3FAE]  }
0x2d: {  	s3 =	simm.s32 $0x108;
	s8 =	sld [smem:$0x3FAF]  }
0x2e: {  	s3 =	simm.s32 @!p0 $0x1082;
	s9 =	sld [smem:$0x3FB0]  }
0x2f: {  	lr =	sadd.s32 s0, s3;
	s0 =	sld [smem:$0x3FA7]  }
0x30: {  	s3 =	sld [smem:$0x3FAA]  }
0x31: {  	[smem:$0x3FB3] =	sst s10  }
0x32: {  	s10 =	sld [smem:$0x3FB1];
	_ =	sdelay $0x3  }
0x33: {  	p0 =	seq.s32 s10, $0x1;
	s10 =	sld [smem:$0x3FB3];
	_ =	sdelay $0x3  }
0x34: {  	[smem:$0x3FB3] =	sst s10  }
0x35: {  	s10 =	sld [smem:$0x3FB2];
	_ =	sdelay $0x3  }
0x36: {  	p1 =	seq.s32 s10, $0x1;
	s10 =	sld [smem:$0x3FB3];
	_ =	sdelay $0x3  }
0x37: {  	[smem:$0x3FB3] =	sst s10  }
0x38: {  	s10 =	sld [smem:$0x3FB4]  }
0x39: {  	_ = 	snop;
	(pc) =	sbr.ind lr, $3  }
0x3a: {  	_ = 	snop  }
0x3b: {  	_ = 	snop  }
0x3c: {  	p2 =	seq.s32 s10, $0x1;
	s10 =	sld [smem:$0x3FB3]  }
0x3d: {  	_ =	shalt  }
0x3e: {  	_ =	shalt  }
0x3f: {  	_ =	shalt  }
0x40: {  	_ =	shalt  }
0x41: {  	_ =	shalt  }
0x42: {  	_ =	shalt  }
0x43: {  	_ =	shalt  }
0x44: {  	_ =	shalt  }
0x45: {  	_ =	shalt  }
0x46: {  	_ =	shalt  }
0x47: {  	_ =	shalt  }
0x48: {  	_ =	shalt  }
0x49: {  	_ =	shalt  }
0x4a: {  	_ =	shalt  }
0x4b: {  	_ =	shalt  }
0x4c: {  	_ =	shalt  }
0x4d: {  	_ =	shalt  }
0x4e: {  	_ =	shalt  }
0x4f: {  	_ =	shalt  }
0x50: {  	_ =	shalt  }
0x51: {  	_ =	shalt  }
0x52: {  	_ =	shalt  }
0x53: {  	_ =	shalt  }
0x54: {  	_ =	shalt  }
0x55: {  	_ =	shalt  }
0x56: {  	_ =	shalt  }
0x57: {  	_ =	shalt  }
0x58: {  	_ =	shalt  }
0x59: {  	_ =	shalt  }
0x5a: {  	_ =	shalt  }
0x5b: {  	_ =	shalt  }
0x5c: {  	_ =	shalt  }
0x5d: {  	_ =	shalt  }
0x5e: {  	_ =	shalt  }
0x5f: {  	_ =	shalt  }
0x60: {  	_ =	shalt  }
0x61: {  	_ =	shalt  }
0x62: {  	_ =	shalt  }
0x63: {  	_ =	shalt  }
0x64: {  	_ =	shalt  }
0x65: {  	_ =	shalt  }
0x66: {  	_ =	shalt  }
0x67: {  	_ =	shalt  }
0x68: {  	_ =	shalt  }
0x69: {  	_ =	shalt  }
0x6a: {  	_ =	shalt  }
0x6b: {  	_ =	shalt  }
0x6c: {  	_ =	shalt  }
0x6d: {  	_ =	shalt  }
0x6e: {  	_ =	shalt  }
0x6f: {  	_ =	shalt  }
0x70: {  	_ =	shalt  }
0x71: {  	_ =	shalt  }
0x72: {  	_ =	shalt  }
0x73: {  	_ =	shalt  }
0x74: {  	_ =	shalt  }
0x75: {  	_ =	shalt  }
0x76: {  	_ =	shalt  }
0x77: {  	_ =	shalt  }
0x78: {  	_ =	shalt  }
0x79: {  	_ =	shalt  }
0x7a: {  	_ =	shalt  }
0x7b: {  	_ =	shalt  }
0x7c: {  	_ =	shalt  }
0x7d: {  	_ =	shalt  }
0x7e: {  	_ =	shalt  }
0x7f: {  	_ =	shalt  }
0x80: {  	_ =	shalt  }
0x81: {  	_ =	shalt  }
0x82: {  	_ =	shalt  }
0x83: {  	_ =	shalt  }
0x84: {  	_ =	shalt  }
0x85: {  	_ =	shalt  }
0x86: {  	_ =	shalt  }
0x87: {  	_ =	shalt  }
.Lfunc_end0:
.L_simem_size_0:
called_computation_lowered:
.L_overlay_start_0:
0x88: {  	s2 =	sld [smem:$0x3FD9]  }
0x89: {  	s3 =	sld [smem:$0x3FFE];
	_ =	sdelay $0x1  }
0x8a: {  	s1 =	srdreg.scid  }
0x8b: {  	s0 =	sand.u32 $0x1, s1  }
0x8c: {  	s17 =	sshll.u32 s0, $0xA;
	s2 =	sadd.s32 s3, s2  }
0x8d: {  	s2 =	sadd.s32 s2, s17  }
0x8e: {  	[smem:$0x3FBF] =	sst s2  }
0x8f: {  	_ = 	snop  }
0x90: {  	s2 =	sld [smem:$0x3FD0];
	(tm) =	ssettm $0x1  }
0x91: {  	s18 =	sld [smem:$0x3FFB];
	_ =	sdelay $0x3  }
0x92: {  	_ =	strace s18  }
0x93: {  	s3 =	sld [smem:$0x3FFC];
	_ =	sdelay $0x3  }
0x94: {  	_ =	strace s3  }
0x95: {  	s3 =	sld [smem:$0x3FFD];
	_ =	sdelay $0x3  }
0x96: {  	_ =	strace s3  }
0x97: {  	_ =	strace $0x8FFFFFFF  }
0x98: {  	s19 =	sld [smem:$0x3FDB];
	_ =	sdelay $0x1  }
0x99: {  	s4 =	simm.s32 $_scs_section_size  }
0x9a: {  	s5 =	simm.s32 $_size__tile_overlayer_lowered;
	s6 =	simm.s32 $_tile_overlayer_lowered  }
0x9b: {  	s22 =	simm.s32 $0x1BFF;
	s21 =	sshll.u32 s6, $0x1;
	s3 =	sadd.s32 s4, s19  }
0x9c: {  	s7 =	simm.s32 $0x0;
	s20 =	sshll.u32 s5, $0x1;
	s5 =	sadd.s32 s21, s3  }
0x9d: {  	[timem:s7], [sflag:s22] =	dma.local [hbm:s5], s20  }
0x9e: {  	_ =	swait.ge [sflag:s22], s20  }
0x9f: {  	s4 =	ssub.s32 $0x0, s20;
	[sflag:s22] =	ssyncset.done $0x0  }
0xa0: {  	[sflag:s22] =	ssyncadd.s32 s4;
	_ =	sdelay $0x1  }
0xa1: {  	s23 =	simm.s32 $0x1B8B  }
0xa2: {  	_ =	swait.ge [sflag:s23], $0x1  }
0xa3: {  	[sflag:s23] =	ssyncset.done $0x0  }
0xa4: {  	s25 =	simm.s32 $0x1B8E;
	s24 =	sld [smem:$0x3FFE];
	[sflag:s23] =	ssyncadd.s32 $0xFFFFFFFF  }
0xa5: {  	s26 =	simm.s32 $execute0_lowered;
	[smem:$0x3FD2] =	sst s25  }
0xa6: {  	s5 =	sshll.u32 s26, $0x1;
	_ =	strace $0x80000046;
	[dreg:$0x1] =	wrdreg $0xFFFFFFFF  }
0xa7: {  	s28 =	simm.s32 $_size_execute0_lowered;
	s3 =	sadd.s32 s3, s5;
	[dreg:$0x0] =	wrdreg $0x0  }
0xa8: {  	s5 =	sshll.u32 s28, $0x1;
	[dreg:$0x2] =	wrdreg s3  }
0xa9: {  	[dreg:$0x3] =	wrdreg s5  }
0xaa: {  	[dreg:$0x4] =	wrdreg $0xC0  }
0xab: {  	_ =	task [dreg:s7], $0x5FFFF  }
0xac: {  	[dreg:$0x1] =	wrdreg $0xFFFFFFFF  }
0xad: {  	[dreg:$0x0] =	wrdreg $0x60  }
0xae: {  	[dreg:$0x2] =	wrdreg s2  }
0xaf: {  	[dreg:$0x3] =	wrdreg s24  }
0xb0: {  	[dreg:$0x4] =	wrdreg $0x93000  }
0xb1: {  	[dreg:$0x5] =	wrdreg $0x9  }
0xb2: {  	_ =	task.clear_ibuf [dreg:s7], $0x6FFFF;
	_ =	strace $0x90000046  }
0xb3: {  	s29 =	simm.s32 $0x9;
	_ =	strace $0x80000048  }
0xb4: {  	_ =	swait.ge [sflag:s29], $0x1  }
0xb5: {  	[sflag:s29] =	ssyncadd.s32 $0xFFFFFFFF  }
0xb6: {  	_ =	strace $0x90000048  }
0xb7: {  	_ =	sfence  }
0xb8: {  	s30 =	sld [smem:$0x0];
	_ =	sdelay $0x2  }
0xb9: {  	s31 =	sshll.u32 s1, $0xD;
	s1 =	sshrl.u32 s1, $0x2  }
0xba: {  	s3 =	sand.u32 $0x4000, s31;
	s1 =	sadd.s32 s1, s30  }
0xbb: {  	s0 =	sor.u32 s3, s0;
	s1 =	sshll.u32 s1, $0x11  }
0xbc: {  	s0 =	sor.u32 s1, s0  }
0xbd: {  	s0 =	sadd.s32 $0x8F2B, s0  }
0xbe: {  	[sflag:s0] =	ssyncadd.remote.s32 $0x1  }
0xbf: {  	_ =	sfence.sel $0xFFFF  }
0xc0: {  	[dreg:$0x0] =	wrdreg $0xFFFFFFFF;
	(pc) =	sbr.abs _section_cstart, $3  }
0xc1: {  	[dreg:$0x1] =	wrdreg $0xFFFFFFFF  }
0xc2: {  	_ =	task.clear_ibuf [dreg:s7], $0x2FFFF;
	_ =	strace $0x9FFFFFFF  }
0xc3: {  	(tm) =	ssettm $0x7FFFFFFF  }
tec
execute0_lowered:
.L_overlay_start_1:
0x0: {  	(tag) =	ssettag $0x1  }
0x1: {  	s1 =	rddreg [dreg:$0x0]  }
0x2: {  	s0 =	rddreg [dreg:$0x1]  }
0x3: {  	s2 =	rddreg [dreg:$0x2]  }
0x4: {  	s3 =	simm.s32 $0x0;
	s4 =	srdreg.scid;
	s15 =	stileid.u32  }
0x5: {  	s28 =	simm.s32 $0x4;
	s31 =	simm.s32 $0x0;
	[smem:$0x7FF] =	sst s3  }
0x6: {  	s5 =	sadd.s32 $0x14C00, s0;
	s6 =	sadd.s32 $0xAE00, s0;
	s4 =	sand.u32 $0x1, s4  }
0x7: {  	s8 =	smul.u32 $0x4E000, s15;
	s7 =	sadd.s32 $0x1000, s0;
	s0 =	sadd.s32 $0x4F6C00, s0  }
0x8: {  	s26 =	smul.u32 $0x13800, s15;
	p0 =	sne.s32 s15, $0xF;
	s9 =	sshll.u32 s4, $0x4  }
0x9: {  	s10 =	ssub.s32 $0x2, s4;
	s4 =	smul.u32 $0x138800, s4;
	s9 =	sor.u32 s15, s9  }
0xa: {  	_ =	strace $0x80000047;
	s8 =	sshrl.u32 s8, $0x2;
	s12 =	smul.u32 $0x2710, s9  }
0xb: {  	s11 =	sshrl.u32 s10, $0x1;
	s15 =	simm.s32 $0x80;
	s22 =	smul.u32 $0x27100, s9  }
0xc: {  	s29 =	sadd.s32 s8, s2;
	s10 =	ssub.s32 s10, s11;
	s9 =	smul.u32 $0x138800, s9  }
0xd: {  	s30 =	sadd.s32 s26, s4;
	s21 =	sadd.s32 $0x1800, s29;
	[dreg:$0x1b] =	wrdreg s29  }
0xe: {  	s4 =	sshrl.u32 s4, $0x3;
	s13 =	sadd.s32 $0x3000, s29;
	[dreg:$0x4] =	wrdreg s21  }
0xf: {  	s14 =	sadd.s32 $0x4800, s29;
	s20 =	sadd.s32 $0x7800, s29;
	[dreg:$0x5] =	wrdreg s13  }
0x10: {  	s26 =	sadd.s32 $0x10800, s29;
	s23 =	sshrl.u32 s12, $0x3;
	[dreg:$0x6] =	wrdreg s14  }
0x11: {  	s11 =	sadd.s32 s5, s22;
	s17 =	sadd.s32 $0x2000, s9;
	[dreg:$0x13] =	wrdreg s20  }
0x12: {  	s18 =	sadd.s32 $0x80, s12;
	s19 =	sadd.s32 $0xC0, s12;
	[dreg:$0x19] =	wrdreg s26  }
0x13: {  	s8 =	sadd.s32 $0x2700, s12;
	s14 =	smax.u32 s10, $0x1;
	[dreg:$0xb] =	wrdreg s11  }
0x14: {  	s9 =	sshrl.u32 s30, $0x3;
	s21 =	sadd.s32 $0x9000, s29;
	[dreg:$0x11] =	wrdreg s14  }
0x15: {  	s22 =	sadd.s32 $0xA800, s29;
	s30 =	sadd.s32 $0x12000, s29;
	[dreg:$0x14] =	wrdreg s21  }
0x16: {  	s20 =	simm.s32 $0x1;
	s26 =	simm.s32 $0x3;
	[dreg:$0x15] =	wrdreg s22  }
0x17: {  	s10 =	simm.s32 $0x0;
	s24 =	sadd.s32 s6, s23;
	[dreg:$0x1a] =	wrdreg s30  }
0x18: {  	s25 =	sadd.s32 s7, s23;
	s13 =	sadd.s32 $0x8, s23;
	[dreg:$0x7] =	wrdreg s24  }
0x19: {  	s12 =	sshrl.u32 s8, $0x3;
	s9 =	sadd.s32 s0, s9;
	[dreg:$0x8] =	wrdreg s25  }
0x1a: {  	s0 =	sadd.s32 s0, s4;
	s23 =	sadd.s32 $0xC000, s29;
	[dreg:$0xc] =	wrdreg s9  }
0x1b: {  	s11 =	sshll.u32 s8, $0x4;
	s16 =	sadd.s32 s6, s13;
	[dreg:$0x16] =	wrdreg s23  }
0x1c: {  	s14 =	simm.s32 $0x100;
	s13 =	sadd.s32 s7, s13;
	[dreg:$0x9] =	wrdreg s16  }
0x1d: {  	s21 =	simm.s32 $0x40;
	s9 =	sadd.s32 s6, s12;
	[dreg:$0xa] =	wrdreg s13  }
0x1e: {  	s22 =	simm.s32 $0x4200;
	s4 =	sadd.s32 s5, s11;
	[dreg:$0xd] =	wrdreg s9  }
0x1f: {  	s0 =	sadd.s32 $0x27000, s0;
	s24 =	sadd.s32 $0xD800, s29;
	[dreg:$0xf] =	wrdreg s4  }
0x20: {  	s25 =	sadd.s32 $0xF000, s29;
	s11 =	sadd.s32 $0x138000, s2;
	[dreg:$0x10] =	wrdreg s0  }
0x21: {  	s23 =	simm.s32 $0x2;
	s13 =	sadd.s32 s7, s12;
	[dreg:$0x17] =	wrdreg s24  }
0x22: {  	s16 =	sadd.s32 $0x6000, s29;
	[dreg:$0x18] =	wrdreg s25;
	s12 =	simm.s32 $0x200  }
0x23: {  	s24 =	simm.s32 $0x2200;
	s25 =	simm.s32 $0x6200;
	[dreg:$0xe] =	wrdreg s13  }
0x24: {  	v0 =	vimm.f32 $0.0e+00;
	[dreg:$0x12] =	wrdreg s16;
	s13 =	simm.s32 $0x7;
	s16 =	simm.s32 $0x180  }
.LBB2_1:
0x25: {  	s0 =	simm.s32 $0x0;
	s4 =	simm.s32 $0x200  }
.LBB2_2:
0x26: {  	p1 =	sne.s32 s4, $0x5E00;
	[tilespmem:s0+$0x270] =	vst v0  }
0x27: {  	[tilespmem:s0+$0x200] =	vst v0  }
0x28: {  	[tilespmem:s0+$0x210] =	vst v0  }
.Ltmp0:
0x29: {  	[tilespmem:s0+$0x220] =	vst v0;
	(pc) =	sbr.rel @p1 .LBB2_2-.Ltmp0, $4  }
0x2a: {  	[tilespmem:s0+$0x230] =	vst v0  }
0x2b: {  	[tilespmem:s0+$0x240] =	vst v0  }
0x2c: {  	[tilespmem:s0+$0x250] =	vst v0  }
0x2d: {  	[tilespmem:s0+$0x260] =	vst v0;
	s0 =	sshra.s32 s4, $0x2;
	s4 =	sadd.s32 $0x200, s4  }
0x2e: {  	[tilespmem:s0+$0x270] =	vst v0  }
0x2f: {  	[tilespmem:s0+$0x200] =	vst v0  }
0x30: {  	[tilespmem:s0+$0x210] =	vst v0  }
0x31: {  	[tilespmem:s0+$0x220] =	vst v0  }
0x32: {  	[tilespmem:s0+$0x230] =	vst v0  }
0x33: {  	[tilespmem:s0+$0x240] =	vst v0  }
0x34: {  	[tilespmem:s0+$0x250] =	vst v0  }
0x35: {  	[tilespmem:s0+$0x260] =	vst v0  }
0x36: {  	[spmem:s29] =	stream.linear.scatter [tilespmem:s12], [sflag:$0x7], $0x1800, $0x38;
	[tilespmem:$0x1CB80] =	vst v63  }
0x37: {  	_ =	swait.ge [sflag:s13], $0x1800  }
0x38: {  	[sflag:s13] =	ssyncset.done $0x0  }
0x39: {  	s29 =	rddreg [dreg:$0x4];
	[sflag:s13] =	ssyncadd.s32 $0xFFFFE800  }
0x3a: {  	[spmem:s29] =	stream.linear.scatter [tilespmem:s12], [sflag:$0x7], $0x1800, $0x38;
	[tilespmem:$0x1CB80] =	vst v63  }
0x3b: {  	_ =	swait.ge [sflag:s13], $0x1800  }
0x3c: {  	[sflag:s13] =	ssyncset.done $0x0  }
0x3d: {  	s30 =	rddreg [dreg:$0x5];
	[sflag:s13] =	ssyncadd.s32 $0xFFFFE800  }
0x3e: {  	[spmem:s30] =	stream.linear.scatter [tilespmem:s12], [sflag:$0x7], $0x1800, $0x38;
	[tilespmem:$0x1CB80] =	vst v63  }
0x3f: {  	_ =	swait.ge [sflag:s13], $0x1800  }
0x40: {  	[sflag:s13] =	ssyncset.done $0x0  }
0x41: {  	s4 =	rddreg [dreg:$0x6];
	[sflag:s13] =	ssyncadd.s32 $0xFFFFE800  }
0x42: {  	[spmem:s4] =	stream.linear.scatter [tilespmem:s12], [sflag:$0x7], $0x1800, $0x38;
	[tilespmem:$0x1CB80] =	vst v63  }
0x43: {  	_ =	swait.ge [sflag:s13], $0x1800  }
0x44: {  	[sflag:s13] =	ssyncset.done $0x0  }
0x45: {  	s8 =	rddreg [dreg:$0x12];
	[sflag:s13] =	ssyncadd.s32 $0xFFFFE800  }
0x46: {  	[spmem:s8] =	stream.linear.scatter [tilespmem:s12], [sflag:$0x7], $0x1800, $0x38;
	[tilespmem:$0x1CB80] =	vst v63  }
0x47: {  	_ =	swait.ge [sflag:s13], $0x1800  }
0x48: {  	[sflag:s13] =	ssyncset.done $0x0  }
0x49: {  	s9 =	rddreg [dreg:$0x13];
	[sflag:s13] =	ssyncadd.s32 $0xFFFFE800  }
0x4a: {  	[spmem:s9] =	stream.linear.scatter [tilespmem:s12], [sflag:$0x7], $0x1800, $0x38;
	[tilespmem:$0x1CB80] =	vst v63  }
0x4b: {  	_ =	swait.ge [sflag:s13], $0x1800  }
0x4c: {  	[sflag:s13] =	ssyncset.done $0x0  }
0x4d: {  	s29 =	rddreg [dreg:$0x14];
	[sflag:s13] =	ssyncadd.s32 $0xFFFFE800  }
0x4e: {  	[spmem:s29] =	stream.linear.scatter [tilespmem:s12], [sflag:$0x7], $0x1800, $0x38;
	[tilespmem:$0x1CB80] =	vst v63  }
0x4f: {  	_ =	swait.ge [sflag:s13], $0x1800  }
0x50: {  	[sflag:s13] =	ssyncset.done $0x0  }
0x51: {  	s30 =	rddreg [dreg:$0x15];
	[sflag:s13] =	ssyncadd.s32 $0xFFFFE800  }
0x52: {  	[spmem:s30] =	stream.linear.scatter [tilespmem:s12], [sflag:$0x7], $0x1800, $0x38;
	[tilespmem:$0x1CB80] =	vst v63  }
0x53: {  	_ =	swait.ge [sflag:s13], $0x1800  }
0x54: {  	[sflag:s13] =	ssyncset.done $0x0  }
0x55: {  	s4 =	rddreg [dreg:$0x16];
	[sflag:s13] =	ssyncadd.s32 $0xFFFFE800  }
0x56: {  	[spmem:s4] =	stream.linear.scatter [tilespmem:s12], [sflag:$0x7], $0x1800, $0x38;
	[tilespmem:$0x1CB80] =	vst v63  }
0x57: {  	_ =	swait.ge [sflag:s13], $0x1800  }
0x58: {  	[sflag:s13] =	ssyncset.done $0x0  }
0x59: {  	s8 =	rddreg [dreg:$0x17];
	[sflag:s13] =	ssyncadd.s32 $0xFFFFE800  }
0x5a: {  	[spmem:s8] =	stream.linear.scatter [tilespmem:s12], [sflag:$0x7], $0x1800, $0x38;
	[tilespmem:$0x1CB80] =	vst v63  }
0x5b: {  	_ =	swait.ge [sflag:s13], $0x1800  }
0x5c: {  	[sflag:s13] =	ssyncset.done $0x0  }
0x5d: {  	s9 =	rddreg [dreg:$0x18];
	[sflag:s13] =	ssyncadd.s32 $0xFFFFE800  }
0x5e: {  	[spmem:s9] =	stream.linear.scatter [tilespmem:s12], [sflag:$0x7], $0x1800, $0x38;
	[tilespmem:$0x1CB80] =	vst v63  }
0x5f: {  	_ =	swait.ge [sflag:s13], $0x1800  }
0x60: {  	[sflag:s13] =	ssyncset.done $0x0  }
0x61: {  	s29 =	rddreg [dreg:$0x19];
	[sflag:s13] =	ssyncadd.s32 $0xFFFFE800  }
0x62: {  	[spmem:s29] =	stream.linear.scatter [tilespmem:s12], [sflag:$0x7], $0x1800, $0x38;
	[tilespmem:$0x1CB80] =	vst v63  }
0x63: {  	_ =	swait.ge [sflag:s13], $0x1800  }
0x64: {  	[sflag:s13] =	ssyncset.done $0x0  }
0x65: {  	s30 =	rddreg [dreg:$0x1a];
	[sflag:s13] =	ssyncadd.s32 $0xFFFFE800  }
0x66: {  	[spmem:s30] =	stream.linear.scatter [tilespmem:s12], [sflag:$0x7], $0x1800, $0x38;
	[tilespmem:$0x1CB80] =	vst v63  }
0x67: {  	_ =	swait.ge [sflag:s13], $0x1800  }
0x68: {  	[sflag:s13] =	ssyncset.done $0x0  }
0x69: {  	s0 =	simm.s32 @!p0 $0x200;
	[sflag:s13] =	ssyncadd.s32 $0xFFFFE800  }
0x6a: {  	[spmem:s11] =	stream.linear.scatter @!p0 [tilespmem:s0], [sflag:$0x7], $0x800, $0x38;
	[tilespmem:$0x1CB80] =	vst v63  }
0x6b: {  	s0 =	simm.s32 @!p0 $0x7  }
0x6c: {  	_ =	swait.ge @!p0 [sflag:s0], $0x800  }
0x6d: {  	[sflag:s0] =	ssyncset.done @!p0 $0x0  }
0x6e: {  	[sflag:s0] =	ssyncadd.s32 @!p0 $0xFFFFF800  }
0x6f: {  	[bflag:$0x0] =	sbarrier.arrive $0xFFFF  }
0x70: {  	s4 =	rddreg [dreg:$0x7]  }
0x71: {  	[tilespmem:s31], [sflag:$0x1] =	stream.linear.gather [hbm4b:s4+s31], $0x40, $0x38;
	[tilespmem:$0x1CB80] =	vst v63  }
0x72: {  	s9 =	rddreg [dreg:$0x8]  }
0x73: {  	[tilespmem:s14], [sflag:$0x1] =	stream.linear.gather [hbm4b:s9+s31], $0x40, $0x38;
	[tilespmem:$0x1CB80] =	vst v63  }
0x74: {  	s8 =	smov.u32 s11;
	s11 =	rddreg [dreg:$0x9]  }
0x75: {  	[tilespmem:s15], [sflag:$0x2] =	stream.linear.gather [hbm4b:s11+s31], $0x40, $0x38;
	[tilespmem:$0x1CB80] =	vst v63  }
0x76: {  	s29 =	rddreg [dreg:$0xa]  }
0x77: {  	[tilespmem:s16], [sflag:$0x2] =	stream.linear.gather [hbm4b:s29+s31], $0x40, $0x38;
	[tilespmem:$0x1CB80] =	vst v63  }
0x78: {  	_ =	swait.ge [sflag:s20], $0x40  }
0x79: {  	[sflag:s20] =	ssyncset.done $0x0  }
0x7a: {  	[sflag:s20] =	ssyncadd.s32 $0xFFFFFFC0  }
0x7b: {  	_ =	swait.ge [sflag:s20], $0x40  }
0x7c: {  	[sflag:s20] =	ssyncset.done $0x0  }
0x7d: {  	[sflag:s20] =	ssyncadd.s32 $0xFFFFFFC0  }
0x7e: {  	[tilespmem:s12], [sflag:$0x3] =	stream.indirect.gather [hbm4b:s1+s21], $0x80, s31, s21, $0xb8;
	[tilespmem:$0x1CB80] =	vst v63  }
0x7f: {  	s0 =	simm.s32 $0x0;
	s30 =	rddreg [dreg:$0xb]  }
0x80: {  	[tilespmem:s22], [sflag:$0x3] =	stream.linear.gather [hbm4b:s30+s31], $0x2000, $0x38;
	[tilespmem:$0x1CB80] =	vst v63  }
.LBB2_4:
0x81: {  	_ =	swait.ge [sflag:s23], $0x40  }
0x82: {  	[sflag:s23] =	ssyncset.done $0x0  }
0x83: {  	[sflag:s23] =	ssyncadd.s32 $0xFFFFFFC0  }
0x84: {  	_ =	swait.ge [sflag:s23], $0x40  }
0x85: {  	p1 =	seq.s32 s0, $0x0;
	[sflag:s23] =	ssyncset.done $0x0  }
0x86: {  	s4 =	simm.s32 @!p1 $0x6;
	[sflag:s23] =	ssyncadd.s32 $0xFFFFFFC0  }
0x87: {  	_ =	swait.ge @!p1 [sflag:s4], $0x2000  }
0x88: {  	s30 =	sshll.u32 s0, $0xE;
	[sflag:s4] =	ssyncset.done @!p1 $0x0  }
0x89: {  	[sflag:s4] =	ssyncadd.s32 @!p1 $0xFFFFE000;
	s4 =	sadd.s32 s30, s17  }
0x8a: {  	[tilespmem:s24], [sflag:$0x4] =	stream.indirect.gather [hbm4b:s1+s21], $0x80, s15, s21, $0xb8;
	[tilespmem:$0x1CB80] =	vst v63  }
0x8b: {  	s4 =	sshrl.u32 s4, $0x3  }
0x8c: {  	s4 =	sadd.s32 s5, s4  }
0x8d: {  	[tilespmem:s25], [sflag:$0x4] =	stream.linear.gather [hbm4b:s4+s31], $0x2000, $0x38;
	[tilespmem:$0x1CB80] =	vst v63  }
0x8e: {  	_ =	swait.ge [sflag:s26], $0x2000  }
0x8f: {  	[sflag:s26] =	ssyncset.done $0x0  }
0x90: {  	[sflag:s26] =	ssyncadd.s32 $0xFFFFE000  }
0x91: {  	_ =	swait.ge [sflag:s26], $0x2000  }
0x92: {  	[sflag:s26] =	ssyncset.done $0x0  }
0x93: {  	s9 =	simm.s32 $0x0;
	[sflag:s26] =	ssyncadd.s32 $0xFFFFE000  }
0x94: {  	v7 =	vld [tilespmem:s9+$0x200]  }
0x95: {  	v12 =	vld [tilespmem:s9+$0x210]  }
0x96: {  	v6 =	vld [tilespmem:s9+$0x220]  }
0x97: {  	v5 =	vld [tilespmem:s9+$0x230]  }
0x98: {  	v4 =	vld [tilespmem:s9+$0x240]  }
0x99: {  	v3 =	vld [tilespmem:s9+$0x250]  }
0x9a: {  	v2 =	vld [tilespmem:s9+$0x260]  }
0x9b: {  	v1 =	vld [tilespmem:s9+$0x270]  }
0x9c: {  	v13 =	vld [tilespmem:s9+$0x4200]  }
0x9d: {  	v14 =	vld [tilespmem:s9+$0x4210]  }
0x9e: {  	v11 =	vld [tilespmem:s9+$0x4220]  }
0x9f: {  	v10 =	vld [tilespmem:s9+$0x4230]  }
0xa0: {  	v9 =	vld [tilespmem:s9+$0x4240]  }
0xa1: {  	v8 =	vld [tilespmem:s9+$0x4250];
	v13 =	vadd.f32 v13, v7  }
0xa2: {  	s29 =	simm.s32 $0x200;
	s4 =	sshll.u32 s0, $0x7;
	v12 =	vadd.f32 v14, v12;
	v7 =	vld [tilespmem:s9+$0x4260]  }
.LBB2_5:
0xa3: {  	s30 =	sshra.s32 s29, $0x2;
	p1 =	sne.s32 s29, $0x7E00;
	v13 =	vmax.f32 v13, $0.0e+00;
	v6 =	vadd.f32 v11, v6;
	v11 =	vld [tilespmem:s9+$0x4270]  }
0xa4: {  	v14 =	vld [tilespmem:s30+$0x200];
	[tilespmem:s9+$0x4200] =	vst v13;
	v12 =	vmax.f32 v12, $0.0e+00;
	v5 =	vadd.f32 v10, v5  }
0xa5: {  	v15 =	vld [tilespmem:s30+$0x210];
	[tilespmem:s9+$0x4210] =	vst v12;
	v10 =	vmax.f32 v6, $0.0e+00;
	v4 =	vadd.f32 v9, v4  }
0xa6: {  	v6 =	vld [tilespmem:s30+$0x220];
	[tilespmem:s9+$0x4220] =	vst v10;
	v9 =	vmax.f32 v5, $0.0e+00;
	v3 =	vadd.f32 v8, v3  }
0xa7: {  	v5 =	vld [tilespmem:s30+$0x230];
	[tilespmem:s9+$0x4230] =	vst v9;
	v8 =	vmax.f32 v4, $0.0e+00;
	v2 =	vadd.f32 v7, v2  }
0xa8: {  	v4 =	vld [tilespmem:s30+$0x240];
	[tilespmem:s9+$0x4240] =	vst v8;
	v7 =	vmax.f32 v3, $0.0e+00;
	v1 =	vadd.f32 v11, v1  }
0xa9: {  	v3 =	vld [tilespmem:s30+$0x250];
	[tilespmem:s9+$0x4250] =	vst v7;
	v7 =	vmax.f32 v2, $0.0e+00  }
0xaa: {  	v2 =	vld [tilespmem:s30+$0x260];
	[tilespmem:s9+$0x4260] =	vst v7;
	v7 =	vmax.f32 v1, $0.0e+00  }
0xab: {  	v1 =	vld [tilespmem:s30+$0x270];
	[tilespmem:s9+$0x4270] =	vst v7;
	s9 =	smov.u32 s30  }
0xac: {  	v7 =	vld [tilespmem:s9+$0x4200]  }
0xad: {  	v12 =	vld [tilespmem:s9+$0x4210]  }
.Ltmp1:
0xae: {  	v11 =	vld [tilespmem:s9+$0x4220];
	(pc) =	sbr.rel @p1 .LBB2_5-.Ltmp1, $4  }
0xaf: {  	v10 =	vld [tilespmem:s9+$0x4230]  }
0xb0: {  	v9 =	vld [tilespmem:s9+$0x4240]  }
0xb1: {  	v13 =	vadd.f32 v7, v14;
	v8 =	vld [tilespmem:s9+$0x4250]  }
0xb2: {  	s29 =	sadd.s32 $0x200, s29;
	v12 =	vadd.f32 v12, v15;
	v7 =	vld [tilespmem:s9+$0x4260]  }
0xb3: {  	v13 =	vmax.f32 v13, $0.0e+00;
	v6 =	vadd.f32 v11, v6;
	v11 =	vld [tilespmem:s9+$0x4270]  }
0xb4: {  	[tilespmem:s9+$0x4200] =	vst v13;
	v12 =	vmax.f32 v12, $0.0e+00;
	v5 =	vadd.f32 v10, v5  }
0xb5: {  	[tilespmem:s9+$0x4210] =	vst v12;
	v6 =	vmax.f32 v6, $0.0e+00;
	v4 =	vadd.f32 v9, v4  }
0xb6: {  	[tilespmem:s9+$0x4220] =	vst v6;
	v5 =	vmax.f32 v5, $0.0e+00;
	v3 =	vadd.f32 v8, v3  }
0xb7: {  	[tilespmem:s9+$0x4230] =	vst v5;
	v4 =	vmax.f32 v4, $0.0e+00;
	v2 =	vadd.f32 v7, v2  }
0xb8: {  	[tilespmem:s9+$0x4240] =	vst v4;
	v3 =	vmax.f32 v3, $0.0e+00;
	v1 =	vadd.f32 v11, v1  }
0xb9: {  	[tilespmem:s9+$0x4250] =	vst v3;
	v2 =	vmax.f32 v2, $0.0e+00  }
0xba: {  	p1 =	seq.s32 s0, $0x4D;
	[tilespmem:s9+$0x4260] =	vst v2;
	v1 =	vmax.f32 v1, $0.0e+00  }
0xbb: {  	[tilespmem:s9+$0x4270] =	vst v1;
	s9 =	sadd.s32 @!p1 s4, s18  }
0xbc: {  	[spmem:s2] =	stream.indirect.scatter.add.f32 [tilespmem:s22], [sflag:$0x5], $0x80, s14, s21, $0xb8;
	[tilespmem:$0x1CB80] =	vst v63  }
0xbd: {  	s29 =	sshrl.u32 @!p1 s9, $0x3  }
0xbe: {  	s11 =	simm.s32 @!p1 $0x0;
	s30 =	sadd.s32 @!p1 s6, s29  }
0xbf: {  	[tilespmem:s11], [sflag:$0x1] =	stream.linear.gather @!p1 [hbm4b:s30+s11], $0x40, $0x38;
	[tilespmem:$0x1CB80] =	vst v63  }
0xc0: {  	s29 =	sadd.s32 @!p1 s7, s29;
	s30 =	simm.s32 @!p1 $0x100  }
0xc1: {  	[tilespmem:s30], [sflag:$0x1] =	stream.linear.gather @!p1 [hbm4b:s29+s11], $0x40, $0x38;
	[tilespmem:$0x1CB80] =	vst v63  }
0xc2: {  	s29 =	simm.s32 @!p1 $0x1  }
0xc3: {  	_ =	swait.ge @!p1 [sflag:s29], $0x40  }
0xc4: {  	[sflag:s29] =	ssyncset.done @!p1 $0x0  }
0xc5: {  	[sflag:s29] =	ssyncadd.s32 @!p1 $0xFFFFFFC0  }
0xc6: {  	_ =	swait.ge @!p1 [sflag:s29], $0x40  }
0xc7: {  	[sflag:s29] =	ssyncset.done @!p1 $0x0  }
0xc8: {  	[sflag:s29] =	ssyncadd.s32 @!p1 $0xFFFFFFC0;
	s29 =	simm.s32 @!p1 $0x5  }
0xc9: {  	_ =	swait.ge @!p1 [sflag:s29], $0x2000  }
0xca: {  	s9 =	sshll.u32 @!p1 s9, $0x4;
	[sflag:s29] =	ssyncset.done @!p1 $0x0  }
0xcb: {  	s30 =	simm.s32 @!p1 $0x200;
	[sflag:s29] =	ssyncadd.s32 @!p1 $0xFFFFE000;
	s29 =	simm.s32 @!p1 $0x40  }
0xcc: {  	[tilespmem:s30], [sflag:$0x3] =	stream.indirect.gather @!p1 [hbm4b:s1+s29], $0x80, s11, s29, $0xb8;
	[tilespmem:$0x1CB80] =	vst v63  }
0xcd: {  	s9 =	sadd.s32 @!p1 s5, s9;
	s29 =	simm.s32 @!p1 $0x4200  }
0xce: {  	[tilespmem:s29], [sflag:$0x3] =	stream.linear.gather @!p1 [hbm4b:s9+s11], $0x2000, $0x38;
	[tilespmem:$0x1CB80] =	vst v63  }
0xcf: {  	_ =	swait.ge [sflag:s28], $0x2000  }
0xd0: {  	[sflag:s28] =	ssyncset.done $0x0  }
0xd1: {  	[sflag:s28] =	ssyncadd.s32 $0xFFFFE000  }
0xd2: {  	_ =	swait.ge [sflag:s28], $0x2000  }
0xd3: {  	[sflag:s28] =	ssyncset.done $0x0  }
0xd4: {  	s9 =	simm.s32 $0x0;
	[sflag:s28] =	ssyncadd.s32 $0xFFFFE000  }
0xd5: {  	v7 =	vld [tilespmem:s9+$0x2200]  }
0xd6: {  	v12 =	vld [tilespmem:s9+$0x2210]  }
0xd7: {  	v6 =	vld [tilespmem:s9+$0x2220]  }
0xd8: {  	v5 =	vld [tilespmem:s9+$0x2230]  }
0xd9: {  	v4 =	vld [tilespmem:s9+$0x2240]  }
0xda: {  	v3 =	vld [tilespmem:s9+$0x2250]  }
0xdb: {  	v2 =	vld [tilespmem:s9+$0x2260]  }
0xdc: {  	v1 =	vld [tilespmem:s9+$0x2270]  }
0xdd: {  	v13 =	vld [tilespmem:s9+$0x6200]  }
0xde: {  	v14 =	vld [tilespmem:s9+$0x6210]  }
0xdf: {  	v11 =	vld [tilespmem:s9+$0x6220]  }
0xe0: {  	v10 =	vld [tilespmem:s9+$0x6230]  }
0xe1: {  	v9 =	vld [tilespmem:s9+$0x6240]  }
0xe2: {  	v8 =	vld [tilespmem:s9+$0x6250];
	v13 =	vadd.f32 v13, v7  }
0xe3: {  	s29 =	simm.s32 $0x200;
	v12 =	vadd.f32 v14, v12;
	v7 =	vld [tilespmem:s9+$0x6260]  }
.LBB2_7:
0xe4: {  	s11 =	sshra.s32 s29, $0x2;
	p2 =	sne.s32 s29, $0x7E00;
	v13 =	vmax.f32 v13, $0.0e+00;
	v6 =	vadd.f32 v11, v6;
	v11 =	vld [tilespmem:s9+$0x6270]  }
0xe5: {  	v14 =	vld [tilespmem:s11+$0x2200];
	[tilespmem:s9+$0x6200] =	vst v13;
	v12 =	vmax.f32 v12, $0.0e+00;
	v5 =	vadd.f32 v10, v5  }
0xe6: {  	v15 =	vld [tilespmem:s11+$0x2210];
	[tilespmem:s9+$0x6210] =	vst v12;
	v10 =	vmax.f32 v6, $0.0e+00;
	v4 =	vadd.f32 v9, v4  }
0xe7: {  	v6 =	vld [tilespmem:s11+$0x2220];
	[tilespmem:s9+$0x6220] =	vst v10;
	v9 =	vmax.f32 v5, $0.0e+00;
	v3 =	vadd.f32 v8, v3  }
0xe8: {  	v5 =	vld [tilespmem:s11+$0x2230];
	[tilespmem:s9+$0x6230] =	vst v9;
	v8 =	vmax.f32 v4, $0.0e+00;
	v2 =	vadd.f32 v7, v2  }
0xe9: {  	v4 =	vld [tilespmem:s11+$0x2240];
	[tilespmem:s9+$0x6240] =	vst v8;
	v7 =	vmax.f32 v3, $0.0e+00;
	v1 =	vadd.f32 v11, v1  }
0xea: {  	v3 =	vld [tilespmem:s11+$0x2250];
	[tilespmem:s9+$0x6250] =	vst v7;
	v7 =	vmax.f32 v2, $0.0e+00  }
0xeb: {  	v2 =	vld [tilespmem:s11+$0x2260];
	[tilespmem:s9+$0x6260] =	vst v7;
	v7 =	vmax.f32 v1, $0.0e+00  }
0xec: {  	v1 =	vld [tilespmem:s11+$0x2270];
	[tilespmem:s9+$0x6270] =	vst v7;
	s9 =	smov.u32 s11  }
0xed: {  	v7 =	vld [tilespmem:s9+$0x6200]  }
0xee: {  	v12 =	vld [tilespmem:s9+$0x6210]  }
.Ltmp2:
0xef: {  	v11 =	vld [tilespmem:s9+$0x6220];
	(pc) =	sbr.rel @p2 .LBB2_7-.Ltmp2, $4  }
0xf0: {  	v10 =	vld [tilespmem:s9+$0x6230]  }
0xf1: {  	v9 =	vld [tilespmem:s9+$0x6240]  }
0xf2: {  	v13 =	vadd.f32 v7, v14;
	v8 =	vld [tilespmem:s9+$0x6250]  }
0xf3: {  	s29 =	sadd.s32 $0x200, s29;
	v12 =	vadd.f32 v12, v15;
	v7 =	vld [tilespmem:s9+$0x6260]  }
0xf4: {  	v13 =	vmax.f32 v13, $0.0e+00;
	v6 =	vadd.f32 v11, v6;
	v63 =	vld [tilespmem:s9+$0x6270]  }
0xf5: {  	[tilespmem:s9+$0x6200] =	vst v13;
	v12 =	vmax.f32 v12, $0.0e+00;
	v5 =	vadd.f32 v10, v5  }
0xf6: {  	[tilespmem:s9+$0x6210] =	vst v12;
	v6 =	vmax.f32 v6, $0.0e+00;
	v4 =	vadd.f32 v9, v4  }
0xf7: {  	[tilespmem:s9+$0x6220] =	vst v6;
	v5 =	vmax.f32 v5, $0.0e+00;
	v3 =	vadd.f32 v8, v3  }
0xf8: {  	[tilespmem:s9+$0x6230] =	vst v5;
	v4 =	vmax.f32 v4, $0.0e+00;
	v2 =	vadd.f32 v7, v2  }
.Ltmp3:
0xf9: {  	[tilespmem:s9+$0x6240] =	vst v4;
	v3 =	vmax.f32 v3, $0.0e+00;
	v1 =	vadd.f32 v63, v1;
	(pc) =	sbr.rel @p1 .LBB2_10-.Ltmp3, $4  }
0xfa: {  	[tilespmem:s9+$0x6250] =	vst v3;
	v2 =	vmax.f32 v2, $0.0e+00  }
0xfb: {  	[tilespmem:s9+$0x6260] =	vst v2;
	v1 =	vmax.f32 v1, $0.0e+00  }
0xfc: {  	[tilespmem:s9+$0x6270] =	vst v1  }
0xfd: {  	[spmem:s2] =	stream.indirect.scatter.add.f32 [tilespmem:s25], [sflag:$0x6], $0x80, s16, s21, $0xb8;
	[tilespmem:$0x1CB80] =	vst v63  }
0xfe: {  	s4 =	sadd.s32 s4, s19  }
.Ltmp4:
0xff: {  	s4 =	sshrl.u32 s4, $0x3;
	(pc) =	sbr.rel .LBB2_4-.Ltmp4, $4  }
0x100: {  	s9 =	sadd.s32 s6, s4  }
0x101: {  	[tilespmem:s15], [sflag:$0x2] =	stream.linear.gather [hbm4b:s9+s3], $0x40, $0x38;
	[tilespmem:$0x1CB80] =	vst v63  }
0x102: {  	s0 =	sadd.s32 $0x1, s0;
	s4 =	sadd.s32 s7, s4  }
0x103: {  	[tilespmem:s16], [sflag:$0x2] =	stream.linear.gather [hbm4b:s4+s3], $0x40, $0x38;
	[tilespmem:$0x1CB80] =	vst v63  }
.LBB2_10:
0x104: {  	s0 =	simm.s32 $0x5  }
0x105: {  	_ =	swait.ge [sflag:s0], $0x2000  }
0x106: {  	[sflag:s0] =	ssyncset.done $0x0  }
0x107: {  	s4 =	simm.s32 $0x6;
	[sflag:s0] =	ssyncadd.s32 $0xFFFFE000  }
0x108: {  	_ =	swait.ge [sflag:s4], $0x2000  }
0x109: {  	s9 =	simm.s32 $0x8200;
	[sflag:s4] =	ssyncset.done $0x0  }
0x10a: {  	s0 =	simm.s32 $0x0;
	[sflag:s4] =	ssyncadd.s32 $0xFFFFE000;
	s4 =	rddreg [dreg:$0xd]  }
0x10b: {  	[tilespmem:s9], [sflag:$0x7] =	stream.linear.gather [hbm4b:s4+s0], $0x10, $0x38;
	[tilespmem:$0x1CB80] =	vst v63  }
0x10c: {  	_ =	swait.ge [sflag:s13], $0x10  }
0x10d: {  	[sflag:s13] =	ssyncset.done $0x0  }
0x10e: {  	s11 =	simm.s32 $0x8280;
	s4 =	rddreg [dreg:$0xe];
	[sflag:s13] =	ssyncadd.s32 $0xFFFFFFF0  }
0x10f: {  	[tilespmem:s11], [sflag:$0x7] =	stream.linear.gather [hbm4b:s4+s0], $0x10, $0x38;
	[tilespmem:$0x1CB80] =	vst v63  }
0x110: {  	_ =	swait.ge [sflag:s13], $0x10  }
0x111: {  	[sflag:s13] =	ssyncset.done $0x0  }
0x112: {  	s29 =	simm.s32 $0x10;
	s4 =	simm.s32 $0x8300;
	[sflag:s13] =	ssyncadd.s32 $0xFFFFFFF0  }
0x113: {  	[tilespmem:s4], [sflag:$0x3] =	stream.indirect.gather [hbm4b:s1+s29], $0x80, s9, s29, $0xb8;
	[tilespmem:$0x1CB80] =	vst v63  }
0x114: {  	_ =	swait.ge [sflag:s26], $0x800  }
0x115: {  	[sflag:s26] =	ssyncset.done $0x0  }
0x116: {  	s30 =	simm.s32 $0x8B00;
	s9 =	rddreg [dreg:$0xf];
	[sflag:s26] =	ssyncadd.s32 $0xFFFFF800  }
0x117: {  	[tilespmem:s30], [sflag:$0x7] =	stream.linear.gather [hbm4b:s9+s0], $0x800, $0x38;
	[tilespmem:$0x1CB80] =	vst v63  }
0x118: {  	_ =	swait.ge [sflag:s13], $0x800  }
0x119: {  	[sflag:s13] =	ssyncset.done $0x0  }
0x11a: {  	s0 =	simm.s32 $0x0;
	[sflag:s13] =	ssyncadd.s32 $0xFFFFF800  }
0x11b: {  	v7 =	vld [tilespmem:s0+$0x8300]  }
0x11c: {  	v12 =	vld [tilespmem:s0+$0x8310]  }
0x11d: {  	v6 =	vld [tilespmem:s0+$0x8320]  }
0x11e: {  	v5 =	vld [tilespmem:s0+$0x8330]  }
0x11f: {  	v4 =	vld [tilespmem:s0+$0x8340]  }
0x120: {  	v3 =	vld [tilespmem:s0+$0x8350]  }
0x121: {  	v2 =	vld [tilespmem:s0+$0x8360]  }
0x122: {  	v1 =	vld [tilespmem:s0+$0x8370]  }
0x123: {  	v13 =	vld [tilespmem:s0+$0x8B00]  }
0x124: {  	v14 =	vld [tilespmem:s0+$0x8B10]  }
0x125: {  	v11 =	vld [tilespmem:s0+$0x8B20]  }
0x126: {  	v10 =	vld [tilespmem:s0+$0x8B30]  }
0x127: {  	v9 =	vld [tilespmem:s0+$0x8B40]  }
0x128: {  	v8 =	vld [tilespmem:s0+$0x8B50];
	v13 =	vadd.f32 v13, v7  }
0x129: {  	s4 =	simm.s32 $0x200;
	v12 =	vadd.f32 v14, v12;
	v7 =	vld [tilespmem:s0+$0x8B60]  }
.LBB2_11:
0x12a: {  	s9 =	sshra.s32 s4, $0x2;
	p1 =	sne.s32 s4, $0x1E00;
	v13 =	vmax.f32 v13, $0.0e+00;
	v6 =	vadd.f32 v11, v6;
	v11 =	vld [tilespmem:s0+$0x8B70]  }
0x12b: {  	v14 =	vld [tilespmem:s9+$0x8300];
	[tilespmem:s0+$0x8B00] =	vst v13;
	v12 =	vmax.f32 v12, $0.0e+00;
	v5 =	vadd.f32 v10, v5  }
0x12c: {  	v15 =	vld [tilespmem:s9+$0x8310];
	[tilespmem:s0+$0x8B10] =	vst v12;
	v10 =	vmax.f32 v6, $0.0e+00;
	v4 =	vadd.f32 v9, v4  }
0x12d: {  	v6 =	vld [tilespmem:s9+$0x8320];
	[tilespmem:s0+$0x8B20] =	vst v10;
	v9 =	vmax.f32 v5, $0.0e+00;
	v3 =	vadd.f32 v8, v3  }
0x12e: {  	v5 =	vld [tilespmem:s9+$0x8330];
	[tilespmem:s0+$0x8B30] =	vst v9;
	v8 =	vmax.f32 v4, $0.0e+00;
	v2 =	vadd.f32 v7, v2  }
0x12f: {  	v4 =	vld [tilespmem:s9+$0x8340];
	[tilespmem:s0+$0x8B40] =	vst v8;
	v7 =	vmax.f32 v3, $0.0e+00;
	v1 =	vadd.f32 v11, v1  }
0x130: {  	v3 =	vld [tilespmem:s9+$0x8350];
	[tilespmem:s0+$0x8B50] =	vst v7;
	v7 =	vmax.f32 v2, $0.0e+00  }
0x131: {  	v2 =	vld [tilespmem:s9+$0x8360];
	[tilespmem:s0+$0x8B60] =	vst v7;
	v7 =	vmax.f32 v1, $0.0e+00  }
0x132: {  	v1 =	vld [tilespmem:s9+$0x8370];
	[tilespmem:s0+$0x8B70] =	vst v7;
	s0 =	smov.u32 s9  }
0x133: {  	v7 =	vld [tilespmem:s0+$0x8B00]  }
0x134: {  	v12 =	vld [tilespmem:s0+$0x8B10]  }
.Ltmp5:
0x135: {  	v11 =	vld [tilespmem:s0+$0x8B20];
	(pc) =	sbr.rel @p1 .LBB2_11-.Ltmp5, $4  }
0x136: {  	v10 =	vld [tilespmem:s0+$0x8B30]  }
0x137: {  	v9 =	vld [tilespmem:s0+$0x8B40]  }
0x138: {  	v13 =	vadd.f32 v7, v14;
	v8 =	vld [tilespmem:s0+$0x8B50]  }
0x139: {  	s4 =	sadd.s32 $0x200, s4;
	v12 =	vadd.f32 v12, v15;
	v7 =	vld [tilespmem:s0+$0x8B60]  }
0x13a: {  	v13 =	vmax.f32 v13, $0.0e+00;
	v6 =	vadd.f32 v11, v6;
	v63 =	vld [tilespmem:s0+$0x8B70]  }
0x13b: {  	[tilespmem:s0+$0x8B00] =	vst v13;
	v12 =	vmax.f32 v12, $0.0e+00;
	v5 =	vadd.f32 v10, v5  }
0x13c: {  	[tilespmem:s0+$0x8B10] =	vst v12;
	v6 =	vmax.f32 v6, $0.0e+00;
	v4 =	vadd.f32 v9, v4  }
0x13d: {  	[tilespmem:s0+$0x8B20] =	vst v6;
	v5 =	vmax.f32 v5, $0.0e+00;
	v3 =	vadd.f32 v8, v3  }
0x13e: {  	[tilespmem:s0+$0x8B30] =	vst v5;
	v4 =	vmax.f32 v4, $0.0e+00;
	v2 =	vadd.f32 v7, v2  }
0x13f: {  	[tilespmem:s0+$0x8B40] =	vst v4;
	v3 =	vmax.f32 v3, $0.0e+00;
	v1 =	vadd.f32 v63, v1  }
0x140: {  	[tilespmem:s0+$0x8B50] =	vst v3;
	v2 =	vmax.f32 v2, $0.0e+00  }
0x141: {  	[tilespmem:s0+$0x8B60] =	vst v2;
	v1 =	vmax.f32 v1, $0.0e+00  }
0x142: {  	[tilespmem:s0+$0x8B70] =	vst v1  }
0x143: {  	[spmem:s2] =	stream.indirect.scatter.add.f32 [tilespmem:s30], [sflag:$0x7], $0x80, s11, s29, $0xb8;
	[tilespmem:$0x1CB80] =	vst v63  }
0x144: {  	_ =	swait.ge [sflag:s13], $0x800  }
0x145: {  	[sflag:s13] =	ssyncset.done $0x0  }
0x146: {  	[sflag:s13] =	ssyncadd.s32 $0xFFFFF800  }
0x147: {  	s11 =	stileid.u32;
	[bflag:$0x0] =	sbarrier.arrive $0xFFFF  }
0x148: {  	s0 =	sshll.u32 s11, $0x6;
	s29 =	rddreg [dreg:$0x1b]  }
0x149: {  	s0 =	sor.u32 $0x1C07, s0;
	s9 =	rddreg [dreg:$0xc];
	s4 =	sshrl.u32 s29, $0x3  }
0x14a: {  	[hbm:s9], [sflag:s0] =	dma.local [spmem:s4], $0x2700  }
0x14b: {  	_ =	swait.ge [sflag:s13], $0x2700  }
0x14c: {  	[sflag:s13] =	ssyncset.done $0x0  }
0x14d: {  	s4 =	sshrl.u32 @!p0 s8, $0x3;
	s9 =	rddreg [dreg:$0x10];
	[sflag:s13] =	ssyncadd.s32 $0xFFFFD900  }
0x14e: {  	[hbm:s9], [sflag:s0] =	dma.local @!p0 [spmem:s4], $0x100  }
0x14f: {  	s0 =	simm.s32 @!p0 $0x7  }
0x150: {  	_ =	swait.ge @!p0 [sflag:s0], $0x100  }
0x151: {  	s10 =	sadd.s32 $0x1, s10;
	s30 =	rddreg [dreg:$0x11]  }
0x152: {  	p1 =	sne.s32 s10, s30  }
.Ltmp6:
0x153: {  	_ = 	snop;
	(pc) =	sbr.rel @p1 .LBB2_1-.Ltmp6, $3  }
0x154: {  	_ =	sdelay $0x1  }
0x155: {  	[sflag:s0] =	ssyncset.done @!p0 $0x0  }
0x156: {  	s11 =	smov.u32 s8;
	[sflag:s0] =	ssyncadd.s32 @!p0 $0xFFFFFF00  }
0x157: {  	_ =	sfence.sel $0x180000  }
0x158: {  	[bflag:$0x0] =	sbarrier.arrive $0xFFFF  }
0x159: {  	_ =	strace $0x90000047  }
0x15a: {  	s0 =	stileid.u32;
	[bflag:$0x2] =	sbarrier.arrive $0xFFFF  }
0x15b: {  	p0 =	sne.s32 s0, $0x0;
	s0 =	rddreg [dreg:$0x3]  }
0x15c: {  	s0 =	sadd.s32 @!p0 $0x100000, s0  }
0x15d: {  	[sflag:s0] =	ssyncadd.tile.s32 @!p0 $0x1;
	_ =	shalt  }
.Lfunc_end2:
_tile_overlayer_lowered:
.L_overlay_start_2:
0x15e: {  	(tag) =	ssettag $0x2  }
0x15f: {  	s0 =	rddreg [dreg:$0x0];
	s2 =	stileid.u32  }
0x160: {  	s1 =	rddreg [dreg:$0x1];
	p0 =	sne.s32 s2, $0x0  }
0x161: {  	s3 =	rddreg [dreg:$0x2];
	[bflag:$0x3] =	sbarrier.arrive $0xFFFF;
	s2 =	simm.s32 @!p0 $0x1C07  }
0x162: {  	[timem:s3], [sflag:s2] =	dma.local @!p0 [hbm:s0], s1  }
0x163: {  	s0 =	simm.s32 @!p0 $0x7  }
0x164: {  	_ =	swait.ge @!p0 [sflag:s0], s1  }
0x165: {  	s1 =	ssub.s32 @!p0 $0x0, s1;
	[sflag:s0] =	ssyncset.done @!p0 $0x0  }
0x166: {  	[sflag:s0] =	ssyncadd.s32 @!p0 s1  }
0x167: {  	[bflag:$0x3] =	sbarrier.arrive $0xFFFF  }
0x168: {  	_ =	shalt  }

</sc_bundles>
